<compile_context>
chip_gen: v7x
topology: tpu7x:2x2x1
jax: 0.10.2.dev20260603
libtpu: 0.0.44.dev20260713+nightly
codegen_flags: <defaults>
</compile_context>

<pallas_src>
import functools

import jax
import jax.numpy as jnp
from jax import lax
from jax.experimental import pallas as pl
from jax.experimental.pallas import tpu as pltpu, tpu_sc as plsc

NUM_ROWS = 100000
DIM = 64
BATCH = 4096
SEQ = 50
NC = 2
NS = 16
NW = NC * NS
BW = BATCH // NW
BWP = BW + 1
RB = DIM // 8
NBUF = 2
L = 16

_mesh = plsc.VectorSubcoreMesh(core_axis_name="c", subcore_axis_name="s")


@functools.partial(
    pl.kernel,
    out_type=jax.ShapeDtypeStruct((SEQ, RB, NW, 8, BW), jnp.float32),
    mesh=_mesh,
    scratch_types=[
        pltpu.VMEM((SEQ, BW), jnp.int32),
        pltpu.VMEM((NBUF, BW, DIM), jnp.float32),
        pltpu.VMEM((NBUF, RB, 8, BWP), jnp.float32),
        pltpu.SemaphoreType.DMA((NBUF,)),
        pltpu.SemaphoreType.DMA((NBUF,)),
    ],
    compiler_params=pltpu.CompilerParams(
        use_tc_tiling_on_sc=False, needs_layout_passes=False
    ),
)
def _gather_kernel(idx_hbm, table_hbm, out_hbm, idx_v, rows_v, stage_v, gsem, osem):
    wid = lax.axis_index("s") * NC + lax.axis_index("c")
    pltpu.sync_copy(idx_hbm.at[:, pl.ds(wid * BW, BW)], idx_v)

    iota = lax.iota(jnp.int32, L)
    dvecs = [((kk * L + iota) >> 3, (kk * L + iota) & 7) for kk in range(DIM // L)]

    def fire_gather(s, slot):
        pltpu.async_copy(table_hbm.at[idx_v.at[s]], rows_v.at[slot], gsem.at[slot])

    def fire_out(s, slot):
        pltpu.async_copy(
            stage_v.at[slot].at[:, :, pl.ds(0, BW)],
            out_hbm.at[s, :, wid],
            osem.at[slot],
        )

    def wait_out(s, slot):
        pltpu.make_async_copy(
            stage_v.at[slot].at[:, :, pl.ds(0, BW)],
            out_hbm.at[s, :, wid],
            osem.at[slot],
        ).wait()

    for slot in range(NBUF):
        fire_gather(slot, slot)

    @pl.loop(0, SEQ, step=NBUF)
    def _step(t):
        for slot in range(NBUF):
            s = t + slot
            pltpu.make_async_copy(
                table_hbm.at[idx_v.at[s]], rows_v.at[slot], gsem.at[slot]
            ).wait()

            @pl.when(s >= NBUF)
            def _wait_prev():
                wait_out(s - NBUF, slot)

            @pl.loop(0, BW, step=4)
            def _tr(b0):
                vals = []
                for bb in range(4):
                    b = b0 + bb
                    lane = jnp.full((L,), b, jnp.int32)
                    for kk in range(DIM // L):
                        vals.append(
                            (rows_v.at[slot][b, pl.ds(kk * L, L)], kk, lane)
                        )
                for v, kk, lane in vals:
                    plsc.store_scatter(
                        stage_v.at[slot], [dvecs[kk][0], dvecs[kk][1], lane], v
                    )

            fire_out(s, slot)

            @pl.when(s + NBUF < SEQ)
            def _refill():
                fire_gather(s + NBUF, slot)

    for slot in range(NBUF):
        wait_out(SEQ - NBUF + slot, slot)


def kernel(input, weight):
    out_t = _gather_kernel(input.astype(jnp.int32).T, weight)
    return out_t.transpose(2, 4, 0, 1, 3).reshape(BATCH, SEQ, DIM)

# --- scband reference (transcript-rebuilt; emitter-appended) ---
"""Pipeline reference for scband-embedding-15942918602886 (READ-ONLY COPY).

The authoritative reference and input builder live on the scoring server;
editing this copy changes nothing except your own understanding.
"""

import jax, jax.numpy as jnp
import numpy as np

NUM_EMBEDDINGS = 100000
EMBEDDING_DIM = 64

def setup_inputs(seed: int = 0) -> dict:
    key = jax.random.key(seed)
    k1, k2 = jax.random.split(key)
    input = jax.random.randint(k1, (4096, 50), 0, NUM_EMBEDDINGS, dtype=jnp.int64)
    weight = jax.random.normal(k2, (NUM_EMBEDDINGS, EMBEDDING_DIM), dtype=jnp.float32)
    return {"input": input, "weight": weight}

def reference(input, weight):
    # F.embedding(input, weight) with padding_idx=None, max_norm=None,
    # scale_grad_by_freq=False, sparse=False -> plain gather on rows.
    return jnp.take(weight, input, axis=0)

if __name__ == "__main__":
    import jax
    _d = setup_inputs()
    print(jax.jit(kernel)(*tuple(_d.values())))

</pallas_src>

<mosaic_0001>
#map = affine_map<(d0, d1) -> (0, 0)>
#map1 = affine_map<(d0, d1) -> (0, 0, 0, 0, 0)>
module attributes {stable_mosaic.version = 14 : i64} {
  func.func @_gather_kernel(%arg0: i32, %arg1: i32, %arg2: memref<50x4096xi32, #tpu.memory_space<hbm>>, %arg3: memref<100000x64xf32, #tpu.memory_space<hbm>>, %arg4: memref<50x8x32x8x128xf32, #tpu.memory_space<hbm>>, %arg5: memref<50x128xi32, #tpu.memory_space<vmem>>, %arg6: memref<2x128x64xf32, #tpu.memory_space<vmem>>, %arg7: memref<2x8x8x129xf32, #tpu.memory_space<vmem>>, %arg8: memref<2x!tpu.dma_semaphore, #tpu.memory_space<semaphore_mem>>, %arg9: memref<2x!tpu.dma_semaphore, #tpu.memory_space<semaphore_mem>>) attributes {dimension_semantics = [#tpu.dimension_semantics<core_parallel>, #tpu.dimension_semantics<subcore_parallel>], iteration_bounds = array<i64: 2, 16>, scalar_prefetch = 0 : i64, scratch_operands = 5 : i64, tpu.core_type = #tpu.core_type<sc_vector_subcore>, window_params = [{transform_indices = #map}, {transform_indices = #map}, {transform_indices = #map1}]} {
    %mul3A = arith.constant 2 : i32
    %mul3A_0 = arith.muli %arg1, %mul3A : i32
    %add3A = arith.addi %mul3A_0, %arg0 : i32
    %mul3A_1 = arith.constant 128 : i32
    %mul3A_2 = arith.muli %add3A, %mul3A_1 : i32
    "tpu.region"() ({
      %run_scoped3A = tpu.sem_alloc : memref<!tpu.dma_semaphore, #tpu.memory_space<semaphore_mem>>
      %dma_start3A_147 = arith.constant 0 : i32
      %dma_start3A_148 = tpu.memref_slice %arg2[%dma_start3A_147, %mul3A_2] : memref<50x4096xi32, #tpu.memory_space<hbm>> -> memref<50x128xi32, #tpu.memory_space<hbm>>
      %dma_start3A_149 = arith.constant 0 : i32
      %dma_start3A_150 = tpu.memref_slice %arg2[%dma_start3A_149, %mul3A_2] : memref<50x4096xi32, #tpu.memory_space<hbm>> -> memref<50x128xi32, #tpu.memory_space<hbm>>
      tpu.enqueue_dma source(%dma_start3A_150 : memref<50x128xi32, #tpu.memory_space<hbm>>) target(%arg5 : memref<50x128xi32, #tpu.memory_space<vmem>>) target_semaphore(%run_scoped3A : memref<!tpu.dma_semaphore, #tpu.memory_space<semaphore_mem>>)
      %dma_wait3A_151 = arith.constant 0 : i32
      %dma_wait3A_152 = tpu.memref_slice %arg2[%dma_wait3A_151, %mul3A_2] : memref<50x4096xi32, #tpu.memory_space<hbm>> -> memref<50x128xi32, #tpu.memory_space<hbm>>
      %dma_wait3A_153 = arith.constant 0 : i32
      %dma_wait3A_154 = tpu.memref_slice %arg2[%dma_wait3A_153, %mul3A_2] : memref<50x4096xi32, #tpu.memory_space<hbm>> -> memref<50x128xi32, #tpu.memory_space<hbm>>
      tpu.wait_dma2 semaphore(%run_scoped3A : memref<!tpu.dma_semaphore, #tpu.memory_space<semaphore_mem>>) src(%dma_wait3A_154 : memref<50x128xi32, #tpu.memory_space<hbm>>) dst(%arg5 : memref<50x128xi32, #tpu.memory_space<vmem>>)
      tpu.yield
    }) : () -> ()
    %iota3A = tpu.iota {dimensions = array<i32: 0>} : vector<16xi32>
    %add3A_3 = arith.constant 0 : i32
    %add3A_4 = vector.broadcast %add3A_3 : i32 to vector<16xi32>
    %add3A_5 = arith.addi %add3A_4, %iota3A : vector<16xi32>
    %shift_right_arithmetic3A = arith.constant 3 : i32
    %shift_right_arithmetic3A_6 = vector.broadcast %shift_right_arithmetic3A : i32 to vector<16xi32>
    %shift_right_arithmetic3A_7 = arith.shrsi %add3A_5, %shift_right_arithmetic3A_6 : vector<16xi32>
    %add3A_8 = arith.constant 0 : i32
    %add3A_9 = vector.broadcast %add3A_8 : i32 to vector<16xi32>
    %add3A_10 = arith.addi %add3A_9, %iota3A : vector<16xi32>
    %and3A = arith.constant 7 : i32
    %and3A_11 = vector.broadcast %and3A : i32 to vector<16xi32>
    %and3A_12 = arith.andi %add3A_10, %and3A_11 : vector<16xi32>
    %add3A_13 = arith.constant 16 : i32
    %add3A_14 = vector.broadcast %add3A_13 : i32 to vector<16xi32>
    %add3A_15 = arith.addi %add3A_14, %iota3A : vector<16xi32>
    %shift_right_arithmetic3A_16 = arith.constant 3 : i32
    %shift_right_arithmetic3A_17 = vector.broadcast %shift_right_arithmetic3A_16 : i32 to vector<16xi32>
    %shift_right_arithmetic3A_18 = arith.shrsi %add3A_15, %shift_right_arithmetic3A_17 : vector<16xi32>
    %add3A_19 = arith.constant 16 : i32
    %add3A_20 = vector.broadcast %add3A_19 : i32 to vector<16xi32>
    %add3A_21 = arith.addi %add3A_20, %iota3A : vector<16xi32>
    %and3A_22 = arith.constant 7 : i32
    %and3A_23 = vector.broadcast %and3A_22 : i32 to vector<16xi32>
    %and3A_24 = arith.andi %add3A_21, %and3A_23 : vector<16xi32>
    %add3A_25 = arith.constant 32 : i32
    %add3A_26 = vector.broadcast %add3A_25 : i32 to vector<16xi32>
    %add3A_27 = arith.addi %add3A_26, %iota3A : vector<16xi32>
    %shift_right_arithmetic3A_28 = arith.constant 3 : i32
    %shift_right_arithmetic3A_29 = vector.broadcast %shift_right_arithmetic3A_28 : i32 to vector<16xi32>
    %shift_right_arithmetic3A_30 = arith.shrsi %add3A_27, %shift_right_arithmetic3A_29 : vector<16xi32>
    %add3A_31 = arith.constant 32 : i32
    %add3A_32 = vector.broadcast %add3A_31 : i32 to vector<16xi32>
    %add3A_33 = arith.addi %add3A_32, %iota3A : vector<16xi32>
    %and3A_34 = arith.constant 7 : i32
    %and3A_35 = vector.broadcast %and3A_34 : i32 to vector<16xi32>
    %and3A_36 = arith.andi %add3A_33, %and3A_35 : vector<16xi32>
    %add3A_37 = arith.constant 48 : i32
    %add3A_38 = vector.broadcast %add3A_37 : i32 to vector<16xi32>
    %add3A_39 = arith.addi %add3A_38, %iota3A : vector<16xi32>
    %shift_right_arithmetic3A_40 = arith.constant 3 : i32
    %shift_right_arithmetic3A_41 = vector.broadcast %shift_right_arithmetic3A_40 : i32 to vector<16xi32>
    %shift_right_arithmetic3A_42 = arith.shrsi %add3A_39, %shift_right_arithmetic3A_41 : vector<16xi32>
    %add3A_43 = arith.constant 48 : i32
    %add3A_44 = vector.broadcast %add3A_43 : i32 to vector<16xi32>
    %add3A_45 = arith.addi %add3A_44, %iota3A : vector<16xi32>
    %and3A_46 = arith.constant 7 : i32
    %and3A_47 = vector.broadcast %and3A_46 : i32 to vector<16xi32>
    %and3A_48 = arith.andi %add3A_45, %and3A_47 : vector<16xi32>
    %dma_start3A = arith.constant 0 : i32
    %dma_start3A_49 = arith.constant 0 : i32
    %dma_start3A_50 = arith.constant 0 : i32
    %dma_start3A_51 = arith.constant 0 : i32
    %dma_start3A_52 = arith.constant 0 : i32
    %dma_start3A_53 = tpu.memref_slice %arg6[%dma_start3A_49, %dma_start3A_51, %dma_start3A_52] : memref<2x128x64xf32, #tpu.memory_space<vmem>> -> memref<1x128x64xf32, #tpu.memory_space<vmem>>
    %dma_start3A_54 = tpu.memref_squeeze %dma_start3A_53 : memref<1x128x64xf32, #tpu.memory_space<vmem>> -> memref<128x64xf32, #tpu.memory_space<vmem>>
    %dma_start3A_55 = arith.constant 0 : i32
    %dma_start3A_56 = tpu.memref_slice %arg5[%dma_start3A, %dma_start3A_55] : memref<50x128xi32, #tpu.memory_space<vmem>> -> memref<1x128xi32, #tpu.memory_space<vmem>>
    %dma_start3A_57 = tpu.memref_squeeze %dma_start3A_56 : memref<1x128xi32, #tpu.memory_space<vmem>> -> memref<128xi32, #tpu.memory_space<vmem>>
    %dma_start3A_58 = arith.constant 0 : i32
    %dma_start3A_59 = arith.constant 0 : i32
    %dma_start3A_60 = tpu.memref_slice %arg3[%dma_start3A_58, %dma_start3A_59] : memref<100000x64xf32, #tpu.memory_space<hbm>> -> memref<100000x64xf32, #tpu.memory_space<hbm>>
    %dma_start3A_61 = tpu.memref_slice %arg8[%dma_start3A_50] : memref<2x!tpu.dma_semaphore, #tpu.memory_space<semaphore_mem>> -> memref<1x!tpu.dma_semaphore, #tpu.memory_space<semaphore_mem>>
    %dma_start3A_62 = tpu.memref_squeeze %dma_start3A_61 : memref<1x!tpu.dma_semaphore, #tpu.memory_space<semaphore_mem>> -> memref<!tpu.dma_semaphore, #tpu.memory_space<semaphore_mem>>
    tpu.enqueue_indirect_dma source(%dma_start3A_60 : memref<100000x64xf32, #tpu.memory_space<hbm>>) target(%dma_start3A_54 : memref<128x64xf32, #tpu.memory_space<vmem>>) offsets(%dma_start3A_57 : memref<128xi32, #tpu.memory_space<vmem>>) semaphore(%dma_start3A_62 : memref<!tpu.dma_semaphore, #tpu.memory_space<semaphore_mem>>)
    %dma_start3A_63 = arith.constant 1 : i32
    %dma_start3A_64 = arith.constant 1 : i32
    %dma_start3A_65 = arith.constant 1 : i32
    %dma_start3A_66 = arith.constant 0 : i32
    %dma_start3A_67 = arith.constant 0 : i32
    %dma_start3A_68 = tpu.memref_slice %arg6[%dma_start3A_64, %dma_start3A_66, %dma_start3A_67] : memref<2x128x64xf32, #tpu.memory_space<vmem>> -> memref<1x128x64xf32, #tpu.memory_space<vmem>>
    %dma_start3A_69 = tpu.memref_squeeze %dma_start3A_68 : memref<1x128x64xf32, #tpu.memory_space<vmem>> -> memref<128x64xf32, #tpu.memory_space<vmem>>
    %dma_start3A_70 = arith.constant 0 : i32
    %dma_start3A_71 = tpu.memref_slice %arg5[%dma_start3A_63, %dma_start3A_70] : memref<50x128xi32, #tpu.memory_space<vmem>> -> memref<1x128xi32, #tpu.memory_space<vmem>>
    %dma_start3A_72 = tpu.memref_squeeze %dma_start3A_71 : memref<1x128xi32, #tpu.memory_space<vmem>> -> memref<128xi32, #tpu.memory_space<vmem>>
    %dma_start3A_73 = arith.constant 0 : i32
    %dma_start3A_74 = arith.constant 0 : i32
    %dma_start3A_75 = tpu.memref_slice %arg3[%dma_start3A_73, %dma_start3A_74] : memref<100000x64xf32, #tpu.memory_space<hbm>> -> memref<100000x64xf32, #tpu.memory_space<hbm>>
    %dma_start3A_76 = tpu.memref_slice %arg8[%dma_start3A_65] : memref<2x!tpu.dma_semaphore, #tpu.memory_space<semaphore_mem>> -> memref<1x!tpu.dma_semaphore, #tpu.memory_space<semaphore_mem>>
    %dma_start3A_77 = tpu.memref_squeeze %dma_start3A_76 : memref<1x!tpu.dma_semaphore, #tpu.memory_space<semaphore_mem>> -> memref<!tpu.dma_semaphore, #tpu.memory_space<semaphore_mem>>
    tpu.enqueue_indirect_dma source(%dma_start3A_75 : memref<100000x64xf32, #tpu.memory_space<hbm>>) target(%dma_start3A_69 : memref<128x64xf32, #tpu.memory_space<vmem>>) offsets(%dma_start3A_72 : memref<128xi32, #tpu.memory_space<vmem>>) semaphore(%dma_start3A_77 : memref<!tpu.dma_semaphore, #tpu.memory_space<semaphore_mem>>)
    %scan3A = arith.constant 0 : i32
    %scan3A_78 = arith.constant 25 : i32
    %scan3A_79 = arith.addi %scan3A, %scan3A_78 : i32
    %scan3A_80 = arith.constant 1 : i32
    scf.for %scan3A_147 = %scan3A to %scan3A_79 step %scan3A_80  : i32 {
      %mul3A_148 = arith.constant 2 : i32
      %mul3A_149 = arith.muli %scan3A_147, %mul3A_148 : i32
      %add3A_150 = arith.constant 0 : i32
      %add3A_151 = arith.addi %add3A_150, %mul3A_149 : i32
      %add3A_152 = arith.constant 0 : i32
      %add3A_153 = arith.addi %add3A_151, %add3A_152 : i32
      %dma_wait3A_154 = arith.constant 0 : i32
      %dma_wait3A_155 = arith.constant 0 : i32
      %dma_wait3A_156 = arith.constant 0 : i32
      %dma_wait3A_157 = arith.constant 0 : i32
      %dma_wait3A_158 = tpu.memref_slice %arg6[%dma_wait3A_154, %dma_wait3A_156, %dma_wait3A_157] : memref<2x128x64xf32, #tpu.memory_space<vmem>> -> memref<1x128x64xf32, #tpu.memory_space<vmem>>
      %dma_wait3A_159 = tpu.memref_squeeze %dma_wait3A_158 : memref<1x128x64xf32, #tpu.memory_space<vmem>> -> memref<128x64xf32, #tpu.memory_space<vmem>>
      %dma_wait3A_160 = arith.constant 0 : i32
      %dma_wait3A_161 = tpu.memref_slice %arg5[%add3A_153, %dma_wait3A_160] : memref<50x128xi32, #tpu.memory_space<vmem>> -> memref<1x128xi32, #tpu.memory_space<vmem>>
      %dma_wait3A_162 = tpu.memref_squeeze %dma_wait3A_161 : memref<1x128xi32, #tpu.memory_space<vmem>> -> memref<128xi32, #tpu.memory_space<vmem>>
      %dma_wait3A_163 = arith.constant 0 : i32
      %dma_wait3A_164 = arith.constant 0 : i32
      %dma_wait3A_165 = tpu.memref_slice %arg3[%dma_wait3A_163, %dma_wait3A_164] : memref<100000x64xf32, #tpu.memory_space<hbm>> -> memref<100000x64xf32, #tpu.memory_space<hbm>>
      %dma_wait3A_166 = tpu.memref_slice %arg8[%dma_wait3A_155] : memref<2x!tpu.dma_semaphore, #tpu.memory_space<semaphore_mem>> -> memref<1x!tpu.dma_semaphore, #tpu.memory_space<semaphore_mem>>
      %dma_wait3A_167 = tpu.memref_squeeze %dma_wait3A_166 : memref<1x!tpu.dma_semaphore, #tpu.memory_space<semaphore_mem>> -> memref<!tpu.dma_semaphore, #tpu.memory_space<semaphore_mem>>
      tpu.wait_indirect_dma semaphore(%dma_wait3A_167 : memref<!tpu.dma_semaphore, #tpu.memory_space<semaphore_mem>>) src(%dma_wait3A_165 : memref<100000x64xf32, #tpu.memory_space<hbm>>) dst(%dma_wait3A_159 : memref<128x64xf32, #tpu.memory_space<vmem>>)
      %ge3A = arith.constant 2 : i32
      %ge3A_168 = arith.cmpi sge, %add3A_153, %ge3A : i32
      %convert_element_type3A = arith.extui %ge3A_168 : i1 to i32
      %cond3A = arith.constant 0 : i32
      %cond3A_169 = arith.cmpi ne, %convert_element_type3A, %cond3A : i32
      scf.if %cond3A_169 {
        %sub3A = arith.constant 2 : i32
        %sub3A_278 = arith.subi %add3A_153, %sub3A : i32
        %dma_wait3A_279 = arith.constant 0 : i32
        %dma_wait3A_280 = arith.constant 0 : i32
        %dma_wait3A_281 = arith.constant 0 : i32
        %dma_wait3A_282 = arith.constant 0 : i32
        %dma_wait3A_283 = arith.constant 0 : i32
        %dma_wait3A_284 = tpu.memref_slice %arg7[%dma_wait3A_279, %dma_wait3A_281, %dma_wait3A_282, %dma_wait3A_283] : memref<2x8x8x129xf32, #tpu.memory_space<vmem>> -> memref<1x8x8x129xf32, #tpu.memory_space<vmem>>
        %dma_wait3A_285 = tpu.memref_squeeze %dma_wait3A_284 : memref<1x8x8x129xf32, #tpu.memory_space<vmem>> -> memref<8x8x129xf32, #tpu.memory_space<vmem>>
        %dma_wait3A_286 = arith.constant 0 : i32
        %dma_wait3A_287 = arith.constant 0 : i32
        %dma_wait3A_288 = arith.constant 0 : i32
        %dma_wait3A_289 = tpu.memref_slice %dma_wait3A_285[%dma_wait3A_286, %dma_wait3A_287, %dma_wait3A_288] : memref<8x8x129xf32, #tpu.memory_space<vmem>> -> memref<8x8x128xf32, #tpu.memory_space<vmem>>
        %dma_wait3A_290 = arith.constant 0 : i32
        %dma_wait3A_291 = arith.constant 0 : i32
        %dma_wait3A_292 = arith.constant 0 : i32
        %dma_wait3A_293 = tpu.memref_slice %arg4[%sub3A_278, %dma_wait3A_290, %add3A, %dma_wait3A_291, %dma_wait3A_292] : memref<50x8x32x8x128xf32, #tpu.memory_space<hbm>> -> memref<1x8x1x8x128xf32, #tpu.memory_space<hbm>>
        %dma_wait3A_294 = tpu.memref_squeeze %dma_wait3A_293 : memref<1x8x1x8x128xf32, #tpu.memory_space<hbm>> -> memref<8x8x128xf32, #tpu.memory_space<hbm>>
        %dma_wait3A_295 = tpu.memref_slice %arg9[%dma_wait3A_280] : memref<2x!tpu.dma_semaphore, #tpu.memory_space<semaphore_mem>> -> memref<1x!tpu.dma_semaphore, #tpu.memory_space<semaphore_mem>>
        %dma_wait3A_296 = tpu.memref_squeeze %dma_wait3A_295 : memref<1x!tpu.dma_semaphore, #tpu.memory_space<semaphore_mem>> -> memref<!tpu.dma_semaphore, #tpu.memory_space<semaphore_mem>>
        %dma_wait3A_297 = arith.constant 0 : i32
        %dma_wait3A_298 = arith.constant 0 : i32
        %dma_wait3A_299 = arith.constant 0 : i32
        %dma_wait3A_300 = tpu.memref_slice %arg4[%sub3A_278, %dma_wait3A_297, %add3A, %dma_wait3A_298, %dma_wait3A_299] : memref<50x8x32x8x128xf32, #tpu.memory_space<hbm>> -> memref<1x8x1x8x128xf32, #tpu.memory_space<hbm>>
        %dma_wait3A_301 = tpu.memref_squeeze %dma_wait3A_300 : memref<1x8x1x8x128xf32, #tpu.memory_space<hbm>> -> memref<8x8x128xf32, #tpu.memory_space<hbm>>
        %dma_wait3A_302 = arith.constant 0 : i32
        %dma_wait3A_303 = arith.constant 0 : i32
        %dma_wait3A_304 = arith.constant 0 : i32
        %dma_wait3A_305 = tpu.memref_slice %arg7[%dma_wait3A_279, %dma_wait3A_302, %dma_wait3A_303, %dma_wait3A_304] : memref<2x8x8x129xf32, #tpu.memory_space<vmem>> -> memref<1x8x8x129xf32, #tpu.memory_space<vmem>>
        %dma_wait3A_306 = tpu.memref_squeeze %dma_wait3A_305 : memref<1x8x8x129xf32, #tpu.memory_space<vmem>> -> memref<8x8x129xf32, #tpu.memory_space<vmem>>
        %dma_wait3A_307 = arith.constant 0 : i32
        %dma_wait3A_308 = arith.constant 0 : i32
        %dma_wait3A_309 = arith.constant 0 : i32
        %dma_wait3A_310 = tpu.memref_slice %dma_wait3A_306[%dma_wait3A_307, %dma_wait3A_308, %dma_wait3A_309] : memref<8x8x129xf32, #tpu.memory_space<vmem>> -> memref<8x8x128xf32, #tpu.memory_space<vmem>>
        tpu.wait_dma2 semaphore(%dma_wait3A_296 : memref<!tpu.dma_semaphore, #tpu.memory_space<semaphore_mem>>) src(%dma_wait3A_310 : memref<8x8x128xf32, #tpu.memory_space<vmem>>) dst(%dma_wait3A_301 : memref<8x8x128xf32, #tpu.memory_space<hbm>>)
      } else {
      }
      %scan3A_170 = arith.constant 0 : i32
      %scan3A_171 = arith.constant 32 : i32
      %scan3A_172 = arith.addi %scan3A_170, %scan3A_171 : i32
      %scan3A_173 = arith.constant 1 : i32
      scf.for %scan3A_278 = %scan3A_170 to %scan3A_172 step %scan3A_173  : i32 {
        %mul3A_279 = arith.constant 4 : i32
        %mul3A_280 = arith.muli %scan3A_278, %mul3A_279 : i32
        %add3A_281 = arith.constant 0 : i32
        %add3A_282 = arith.addi %add3A_281, %mul3A_280 : i32
        %add3A_283 = arith.constant 0 : i32
        %add3A_284 = arith.addi %add3A_282, %add3A_283 : i32
        %broadcast_in_dim3A = vector.broadcast %add3A_284 : i32 to vector<16xi32>
        %get3A = arith.constant 0 : i32
        %get3A_285 = arith.constant 0 : i32
        %get3A_286 = arith.constant 0 : i32
        %get3A_287 = tpu.memref_slice %arg6[%get3A, %get3A_285, %get3A_286] : memref<2x128x64xf32, #tpu.memory_space<vmem>> -> memref<1x128x64xf32, #tpu.memory_space<vmem>>
        %get3A_288 = tpu.memref_squeeze %get3A_287 : memref<1x128x64xf32, #tpu.memory_space<vmem>> -> memref<128x64xf32, #tpu.memory_space<vmem>>
        %get3A_289 = arith.index_cast %add3A_284 : i32 to index
        %get3A_290 = arith.constant 0 : index
        %get3A_291 = tpu.vector_load %get3A_288[%get3A_289, %get3A_290] {strides = array<i32>} : memref<128x64xf32, #tpu.memory_space<vmem>>, vector<16xf32>,
        %get3A_292 = arith.constant 0 : i32
        %get3A_293 = arith.constant 0 : i32
        %get3A_294 = arith.constant 0 : i32
        %get3A_295 = tpu.memref_slice %arg6[%get3A_292, %get3A_293, %get3A_294] : memref<2x128x64xf32, #tpu.memory_space<vmem>> -> memref<1x128x64xf32, #tpu.memory_space<vmem>>
        %get3A_296 = tpu.memref_squeeze %get3A_295 : memref<1x128x64xf32, #tpu.memory_space<vmem>> -> memref<128x64xf32, #tpu.memory_space<vmem>>
        %get3A_297 = arith.index_cast %add3A_284 : i32 to index
        %get3A_298 = arith.constant 16 : index
        %get3A_299 = tpu.vector_load %get3A_296[%get3A_297, %get3A_298] {strides = array<i32>} : memref<128x64xf32, #tpu.memory_space<vmem>>, vector<16xf32>,
        %get3A_300 = arith.constant 0 : i32
        %get3A_301 = arith.constant 0 : i32
        %get3A_302 = arith.constant 0 : i32
        %get3A_303 = tpu.memref_slice %arg6[%get3A_300, %get3A_301, %get3A_302] : memref<2x128x64xf32, #tpu.memory_space<vmem>> -> memref<1x128x64xf32, #tpu.memory_space<vmem>>
        %get3A_304 = tpu.memref_squeeze %get3A_303 : memref<1x128x64xf32, #tpu.memory_space<vmem>> -> memref<128x64xf32, #tpu.memory_space<vmem>>
        %get3A_305 = arith.index_cast %add3A_284 : i32 to index
        %get3A_306 = arith.constant 32 : index
        %get3A_307 = tpu.vector_load %get3A_304[%get3A_305, %get3A_306] {strides = array<i32>} : memref<128x64xf32, #tpu.memory_space<vmem>>, vector<16xf32>,
        %get3A_308 = arith.constant 0 : i32
        %get3A_309 = arith.constant 0 : i32
        %get3A_310 = arith.constant 0 : i32
        %get3A_311 = tpu.memref_slice %arg6[%get3A_308, %get3A_309, %get3A_310] : memref<2x128x64xf32, #tpu.memory_space<vmem>> -> memref<1x128x64xf32, #tpu.memory_space<vmem>>
        %get3A_312 = tpu.memref_squeeze %get3A_311 : memref<1x128x64xf32, #tpu.memory_space<vmem>> -> memref<128x64xf32, #tpu.memory_space<vmem>>
        %get3A_313 = arith.index_cast %add3A_284 : i32 to index
        %get3A_314 = arith.constant 48 : index
        %get3A_315 = tpu.vector_load %get3A_312[%get3A_313, %get3A_314] {strides = array<i32>} : memref<128x64xf32, #tpu.memory_space<vmem>>, vector<16xf32>,
        %add3A_316 = arith.constant 1 : i32
        %add3A_317 = arith.addi %add3A_282, %add3A_316 : i32
        %broadcast_in_dim3A_318 = vector.broadcast %add3A_317 : i32 to vector<16xi32>
        %get3A_319 = arith.constant 0 : i32
        %get3A_320 = arith.constant 0 : i32
        %get3A_321 = arith.constant 0 : i32
        %get3A_322 = tpu.memref_slice %arg6[%get3A_319, %get3A_320, %get3A_321] : memref<2x128x64xf32, #tpu.memory_space<vmem>> -> memref<1x128x64xf32, #tpu.memory_space<vmem>>
        %get3A_323 = tpu.memref_squeeze %get3A_322 : memref<1x128x64xf32, #tpu.memory_space<vmem>> -> memref<128x64xf32, #tpu.memory_space<vmem>>
        %get3A_324 = arith.index_cast %add3A_317 : i32 to index
        %get3A_325 = arith.constant 0 : index
        %get3A_326 = tpu.vector_load %get3A_323[%get3A_324, %get3A_325] {strides = array<i32>} : memref<128x64xf32, #tpu.memory_space<vmem>>, vector<16xf32>,
        %get3A_327 = arith.constant 0 : i32
        %get3A_328 = arith.constant 0 : i32
        %get3A_329 = arith.constant 0 : i32
        %get3A_330 = tpu.memref_slice %arg6[%get3A_327, %get3A_328, %get3A_329] : memref<2x128x64xf32, #tpu.memory_space<vmem>> -> memref<1x128x64xf32, #tpu.memory_space<vmem>>
        %get3A_331 = tpu.memref_squeeze %get3A_330 : memref<1x128x64xf32, #tpu.memory_space<vmem>> -> memref<128x64xf32, #tpu.memory_space<vmem>>
        %get3A_332 = arith.index_cast %add3A_317 : i32 to index
        %get3A_333 = arith.constant 16 : index
        %get3A_334 = tpu.vector_load %get3A_331[%get3A_332, %get3A_333] {strides = array<i32>} : memref<128x64xf32, #tpu.memory_space<vmem>>, vector<16xf32>,
        %get3A_335 = arith.constant 0 : i32
        %get3A_336 = arith.constant 0 : i32
        %get3A_337 = arith.constant 0 : i32
        %get3A_338 = tpu.memref_slice %arg6[%get3A_335, %get3A_336, %get3A_337] : memref<2x128x64xf32, #tpu.memory_space<vmem>> -> memref<1x128x64xf32, #tpu.memory_space<vmem>>
        %get3A_339 = tpu.memref_squeeze %get3A_338 : memref<1x128x64xf32, #tpu.memory_space<vmem>> -> memref<128x64xf32, #tpu.memory_space<vmem>>
        %get3A_340 = arith.index_cast %add3A_317 : i32 to index
        %get3A_341 = arith.constant 32 : index
        %get3A_342 = tpu.vector_load %get3A_339[%get3A_340, %get3A_341] {strides = array<i32>} : memref<128x64xf32, #tpu.memory_space<vmem>>, vector<16xf32>,
        %get3A_343 = arith.constant 0 : i32
        %get3A_344 = arith.constant 0 : i32
        %get3A_345 = arith.constant 0 : i32
        %get3A_346 = tpu.memref_slice %arg6[%get3A_343, %get3A_344, %get3A_345] : memref<2x128x64xf32, #tpu.memory_space<vmem>> -> memref<1x128x64xf32, #tpu.memory_space<vmem>>
        %get3A_347 = tpu.memref_squeeze %get3A_346 : memref<1x128x64xf32, #tpu.memory_space<vmem>> -> memref<128x64xf32, #tpu.memory_space<vmem>>
        %get3A_348 = arith.index_cast %add3A_317 : i32 to index
        %get3A_349 = arith.constant 48 : index
        %get3A_350 = tpu.vector_load %get3A_347[%get3A_348, %get3A_349] {strides = array<i32>} : memref<128x64xf32, #tpu.memory_space<vmem>>, vector<16xf32>,
        %add3A_351 = arith.constant 2 : i32
        %add3A_352 = arith.addi %add3A_282, %add3A_351 : i32
        %broadcast_in_dim3A_353 = vector.broadcast %add3A_352 : i32 to vector<16xi32>
        %get3A_354 = arith.constant 0 : i32
        %get3A_355 = arith.constant 0 : i32
        %get3A_356 = arith.constant 0 : i32
        %get3A_357 = tpu.memref_slice %arg6[%get3A_354, %get3A_355, %get3A_356] : memref<2x128x64xf32, #tpu.memory_space<vmem>> -> memref<1x128x64xf32, #tpu.memory_space<vmem>>
        %get3A_358 = tpu.memref_squeeze %get3A_357 : memref<1x128x64xf32, #tpu.memory_space<vmem>> -> memref<128x64xf32, #tpu.memory_space<vmem>>
        %get3A_359 = arith.index_cast %add3A_352 : i32 to index
        %get3A_360 = arith.constant 0 : index
        %get3A_361 = tpu.vector_load %get3A_358[%get3A_359, %get3A_360] {strides = array<i32>} : memref<128x64xf32, #tpu.memory_space<vmem>>, vector<16xf32>,
        %get3A_362 = arith.constant 0 : i32
        %get3A_363 = arith.constant 0 : i32
        %get3A_364 = arith.constant 0 : i32
        %get3A_365 = tpu.memref_slice %arg6[%get3A_362, %get3A_363, %get3A_364] : memref<2x128x64xf32, #tpu.memory_space<vmem>> -> memref<1x128x64xf32, #tpu.memory_space<vmem>>
        %get3A_366 = tpu.memref_squeeze %get3A_365 : memref<1x128x64xf32, #tpu.memory_space<vmem>> -> memref<128x64xf32, #tpu.memory_space<vmem>>
        %get3A_367 = arith.index_cast %add3A_352 : i32 to index
        %get3A_368 = arith.constant 16 : index
        %get3A_369 = tpu.vector_load %get3A_366[%get3A_367, %get3A_368] {strides = array<i32>} : memref<128x64xf32, #tpu.memory_space<vmem>>, vector<16xf32>,
        %get3A_370 = arith.constant 0 : i32
        %get3A_371 = arith.constant 0 : i32
        %get3A_372 = arith.constant 0 : i32
        %get3A_373 = tpu.memref_slice %arg6[%get3A_370, %get3A_371, %get3A_372] : memref<2x128x64xf32, #tpu.memory_space<vmem>> -> memref<1x128x64xf32, #tpu.memory_space<vmem>>
        %get3A_374 = tpu.memref_squeeze %get3A_373 : memref<1x128x64xf32, #tpu.memory_space<vmem>> -> memref<128x64xf32, #tpu.memory_space<vmem>>
        %get3A_375 = arith.index_cast %add3A_352 : i32 to index
        %get3A_376 = arith.constant 32 : index
        %get3A_377 = tpu.vector_load %get3A_374[%get3A_375, %get3A_376] {strides = array<i32>} : memref<128x64xf32, #tpu.memory_space<vmem>>, vector<16xf32>,
        %get3A_378 = arith.constant 0 : i32
        %get3A_379 = arith.constant 0 : i32
        %get3A_380 = arith.constant 0 : i32
        %get3A_381 = tpu.memref_slice %arg6[%get3A_378, %get3A_379, %get3A_380] : memref<2x128x64xf32, #tpu.memory_space<vmem>> -> memref<1x128x64xf32, #tpu.memory_space<vmem>>
        %get3A_382 = tpu.memref_squeeze %get3A_381 : memref<1x128x64xf32, #tpu.memory_space<vmem>> -> memref<128x64xf32, #tpu.memory_space<vmem>>
        %get3A_383 = arith.index_cast %add3A_352 : i32 to index
        %get3A_384 = arith.constant 48 : index
        %get3A_385 = tpu.vector_load %get3A_382[%get3A_383, %get3A_384] {strides = array<i32>} : memref<128x64xf32, #tpu.memory_space<vmem>>, vector<16xf32>,
        %add3A_386 = arith.constant 3 : i32
        %add3A_387 = arith.addi %add3A_282, %add3A_386 : i32
        %broadcast_in_dim3A_388 = vector.broadcast %add3A_387 : i32 to vector<16xi32>
        %get3A_389 = arith.constant 0 : i32
        %get3A_390 = arith.constant 0 : i32
        %get3A_391 = arith.constant 0 : i32
        %get3A_392 = tpu.memref_slice %arg6[%get3A_389, %get3A_390, %get3A_391] : memref<2x128x64xf32, #tpu.memory_space<vmem>> -> memref<1x128x64xf32, #tpu.memory_space<vmem>>
        %get3A_393 = tpu.memref_squeeze %get3A_392 : memref<1x128x64xf32, #tpu.memory_space<vmem>> -> memref<128x64xf32, #tpu.memory_space<vmem>>
        %get3A_394 = arith.index_cast %add3A_387 : i32 to index
        %get3A_395 = arith.constant 0 : index
        %get3A_396 = tpu.vector_load %get3A_393[%get3A_394, %get3A_395] {strides = array<i32>} : memref<128x64xf32, #tpu.memory_space<vmem>>, vector<16xf32>,
        %get3A_397 = arith.constant 0 : i32
        %get3A_398 = arith.constant 0 : i32
        %get3A_399 = arith.constant 0 : i32
        %get3A_400 = tpu.memref_slice %arg6[%get3A_397, %get3A_398, %get3A_399] : memref<2x128x64xf32, #tpu.memory_space<vmem>> -> memref<1x128x64xf32, #tpu.memory_space<vmem>>
        %get3A_401 = tpu.memref_squeeze %get3A_400 : memref<1x128x64xf32, #tpu.memory_space<vmem>> -> memref<128x64xf32, #tpu.memory_space<vmem>>
        %get3A_402 = arith.index_cast %add3A_387 : i32 to index
        %get3A_403 = arith.constant 16 : index
        %get3A_404 = tpu.vector_load %get3A_401[%get3A_402, %get3A_403] {strides = array<i32>} : memref<128x64xf32, #tpu.memory_space<vmem>>, vector<16xf32>,
        %get3A_405 = arith.constant 0 : i32
        %get3A_406 = arith.constant 0 : i32
        %get3A_407 = arith.constant 0 : i32
        %get3A_408 = tpu.memref_slice %arg6[%get3A_405, %get3A_406, %get3A_407] : memref<2x128x64xf32, #tpu.memory_space<vmem>> -> memref<1x128x64xf32, #tpu.memory_space<vmem>>
        %get3A_409 = tpu.memref_squeeze %get3A_408 : memref<1x128x64xf32, #tpu.memory_space<vmem>> -> memref<128x64xf32, #tpu.memory_space<vmem>>
        %get3A_410 = arith.index_cast %add3A_387 : i32 to index
        %get3A_411 = arith.constant 32 : index
        %get3A_412 = tpu.vector_load %get3A_409[%get3A_410, %get3A_411] {strides = array<i32>} : memref<128x64xf32, #tpu.memory_space<vmem>>, vector<16xf32>,
        %get3A_413 = arith.constant 0 : i32
        %get3A_414 = arith.constant 0 : i32
        %get3A_415 = arith.constant 0 : i32
        %get3A_416 = tpu.memref_slice %arg6[%get3A_413, %get3A_414, %get3A_415] : memref<2x128x64xf32, #tpu.memory_space<vmem>> -> memref<1x128x64xf32, #tpu.memory_space<vmem>>
        %get3A_417 = tpu.memref_squeeze %get3A_416 : memref<1x128x64xf32, #tpu.memory_space<vmem>> -> memref<128x64xf32, #tpu.memory_space<vmem>>
        %get3A_418 = arith.index_cast %add3A_387 : i32 to index
        %get3A_419 = arith.constant 48 : index
        %get3A_420 = tpu.vector_load %get3A_417[%get3A_418, %get3A_419] {strides = array<i32>} : memref<128x64xf32, #tpu.memory_space<vmem>>, vector<16xf32>,
        %scatter3A = arith.constant 0 : i32
        %scatter3A_421 = arith.constant 0 : i32
        %scatter3A_422 = arith.constant 0 : i32
        %scatter3A_423 = arith.constant 0 : i32
        %scatter3A_424 = tpu.memref_slice %arg7[%scatter3A, %scatter3A_421, %scatter3A_422, %scatter3A_423] : memref<2x8x8x129xf32, #tpu.memory_space<vmem>> -> memref<1x8x8x129xf32, #tpu.memory_space<vmem>>
        %scatter3A_425 = tpu.memref_squeeze %scatter3A_424 : memref<1x8x8x129xf32, #tpu.memory_space<vmem>> -> memref<8x8x129xf32, #tpu.memory_space<vmem>>
        tpu.vector_store_idx %scatter3A_425[%shift_right_arithmetic3A_7, %and3A_12, %broadcast_in_dim3A], %get3A_291 : memref<8x8x129xf32, #tpu.memory_space<vmem>>[vector<16xi32>, vector<16xi32>, vector<16xi32>], vector<16xf32>,
        %scatter3A_426 = arith.constant 0 : i32
        %scatter3A_427 = arith.constant 0 : i32
        %scatter3A_428 = arith.constant 0 : i32
        %scatter3A_429 = arith.constant 0 : i32
        %scatter3A_430 = tpu.memref_slice %arg7[%scatter3A_426, %scatter3A_427, %scatter3A_428, %scatter3A_429] : memref<2x8x8x129xf32, #tpu.memory_space<vmem>> -> memref<1x8x8x129xf32, #tpu.memory_space<vmem>>
        %scatter3A_431 = tpu.memref_squeeze %scatter3A_430 : memref<1x8x8x129xf32, #tpu.memory_space<vmem>> -> memref<8x8x129xf32, #tpu.memory_space<vmem>>
        tpu.vector_store_idx %scatter3A_431[%shift_right_arithmetic3A_18, %and3A_24, %broadcast_in_dim3A], %get3A_299 : memref<8x8x129xf32, #tpu.memory_space<vmem>>[vector<16xi32>, vector<16xi32>, vector<16xi32>], vector<16xf32>,
        %scatter3A_432 = arith.constant 0 : i32
        %scatter3A_433 = arith.constant 0 : i32
        %scatter3A_434 = arith.constant 0 : i32
        %scatter3A_435 = arith.constant 0 : i32
        %scatter3A_436 = tpu.memref_slice %arg7[%scatter3A_432, %scatter3A_433, %scatter3A_434, %scatter3A_435] : memref<2x8x8x129xf32, #tpu.memory_space<vmem>> -> memref<1x8x8x129xf32, #tpu.memory_space<vmem>>
        %scatter3A_437 = tpu.memref_squeeze %scatter3A_436 : memref<1x8x8x129xf32, #tpu.memory_space<vmem>> -> memref<8x8x129xf32, #tpu.memory_space<vmem>>
        tpu.vector_store_idx %scatter3A_437[%shift_right_arithmetic3A_30, %and3A_36, %broadcast_in_dim3A], %get3A_307 : memref<8x8x129xf32, #tpu.memory_space<vmem>>[vector<16xi32>, vector<16xi32>, vector<16xi32>], vector<16xf32>,
        %scatter3A_438 = arith.constant 0 : i32
        %scatter3A_439 = arith.constant 0 : i32
        %scatter3A_440 = arith.constant 0 : i32
        %scatter3A_441 = arith.constant 0 : i32
        %scatter3A_442 = tpu.memref_slice %arg7[%scatter3A_438, %scatter3A_439, %scatter3A_440, %scatter3A_441] : memref<2x8x8x129xf32, #tpu.memory_space<vmem>> -> memref<1x8x8x129xf32, #tpu.memory_space<vmem>>
        %scatter3A_443 = tpu.memref_squeeze %scatter3A_442 : memref<1x8x8x129xf32, #tpu.memory_space<vmem>> -> memref<8x8x129xf32, #tpu.memory_space<vmem>>
        tpu.vector_store_idx %scatter3A_443[%shift_right_arithmetic3A_42, %and3A_48, %broadcast_in_dim3A], %get3A_315 : memref<8x8x129xf32, #tpu.memory_space<vmem>>[vector<16xi32>, vector<16xi32>, vector<16xi32>], vector<16xf32>,
        %scatter3A_444 = arith.constant 0 : i32
        %scatter3A_445 = arith.constant 0 : i32
        %scatter3A_446 = arith.constant 0 : i32
        %scatter3A_447 = arith.constant 0 : i32
        %scatter3A_448 = tpu.memref_slice %arg7[%scatter3A_444, %scatter3A_445, %scatter3A_446, %scatter3A_447] : memref<2x8x8x129xf32, #tpu.memory_space<vmem>> -> memref<1x8x8x129xf32, #tpu.memory_space<vmem>>
        %scatter3A_449 = tpu.memref_squeeze %scatter3A_448 : memref<1x8x8x129xf32, #tpu.memory_space<vmem>> -> memref<8x8x129xf32, #tpu.memory_space<vmem>>
        tpu.vector_store_idx %scatter3A_449[%shift_right_arithmetic3A_7, %and3A_12, %broadcast_in_dim3A_318], %get3A_326 : memref<8x8x129xf32, #tpu.memory_space<vmem>>[vector<16xi32>, vector<16xi32>, vector<16xi32>], vector<16xf32>,
        %scatter3A_450 = arith.constant 0 : i32
        %scatter3A_451 = arith.constant 0 : i32
        %scatter3A_452 = arith.constant 0 : i32
        %scatter3A_453 = arith.constant 0 : i32
        %scatter3A_454 = tpu.memref_slice %arg7[%scatter3A_450, %scatter3A_451, %scatter3A_452, %scatter3A_453] : memref<2x8x8x129xf32, #tpu.memory_space<vmem>> -> memref<1x8x8x129xf32, #tpu.memory_space<vmem>>
        %scatter3A_455 = tpu.memref_squeeze %scatter3A_454 : memref<1x8x8x129xf32, #tpu.memory_space<vmem>> -> memref<8x8x129xf32, #tpu.memory_space<vmem>>
        tpu.vector_store_idx %scatter3A_455[%shift_right_arithmetic3A_18, %and3A_24, %broadcast_in_dim3A_318], %get3A_334 : memref<8x8x129xf32, #tpu.memory_space<vmem>>[vector<16xi32>, vector<16xi32>, vector<16xi32>], vector<16xf32>,
        %scatter3A_456 = arith.constant 0 : i32
        %scatter3A_457 = arith.constant 0 : i32
        %scatter3A_458 = arith.constant 0 : i32
        %scatter3A_459 = arith.constant 0 : i32
        %scatter3A_460 = tpu.memref_slice %arg7[%scatter3A_456, %scatter3A_457, %scatter3A_458, %scatter3A_459] : memref<2x8x8x129xf32, #tpu.memory_space<vmem>> -> memref<1x8x8x129xf32, #tpu.memory_space<vmem>>
        %scatter3A_461 = tpu.memref_squeeze %scatter3A_460 : memref<1x8x8x129xf32, #tpu.memory_space<vmem>> -> memref<8x8x129xf32, #tpu.memory_space<vmem>>
        tpu.vector_store_idx %scatter3A_461[%shift_right_arithmetic3A_30, %and3A_36, %broadcast_in_dim3A_318], %get3A_342 : memref<8x8x129xf32, #tpu.memory_space<vmem>>[vector<16xi32>, vector<16xi32>, vector<16xi32>], vector<16xf32>,
        %scatter3A_462 = arith.constant 0 : i32
        %scatter3A_463 = arith.constant 0 : i32
        %scatter3A_464 = arith.constant 0 : i32
        %scatter3A_465 = arith.constant 0 : i32
        %scatter3A_466 = tpu.memref_slice %arg7[%scatter3A_462, %scatter3A_463, %scatter3A_464, %scatter3A_465] : memref<2x8x8x129xf32, #tpu.memory_space<vmem>> -> memref<1x8x8x129xf32, #tpu.memory_space<vmem>>
        %scatter3A_467 = tpu.memref_squeeze %scatter3A_466 : memref<1x8x8x129xf32, #tpu.memory_space<vmem>> -> memref<8x8x129xf32, #tpu.memory_space<vmem>>
        tpu.vector_store_idx %scatter3A_467[%shift_right_arithmetic3A_42, %and3A_48, %broadcast_in_dim3A_318], %get3A_350 : memref<8x8x129xf32, #tpu.memory_space<vmem>>[vector<16xi32>, vector<16xi32>, vector<16xi32>], vector<16xf32>,
        %scatter3A_468 = arith.constant 0 : i32
        %scatter3A_469 = arith.constant 0 : i32
        %scatter3A_470 = arith.constant 0 : i32
        %scatter3A_471 = arith.constant 0 : i32
        %scatter3A_472 = tpu.memref_slice %arg7[%scatter3A_468, %scatter3A_469, %scatter3A_470, %scatter3A_471] : memref<2x8x8x129xf32, #tpu.memory_space<vmem>> -> memref<1x8x8x129xf32, #tpu.memory_space<vmem>>
        %scatter3A_473 = tpu.memref_squeeze %scatter3A_472 : memref<1x8x8x129xf32, #tpu.memory_space<vmem>> -> memref<8x8x129xf32, #tpu.memory_space<vmem>>
        tpu.vector_store_idx %scatter3A_473[%shift_right_arithmetic3A_7, %and3A_12, %broadcast_in_dim3A_353], %get3A_361 : memref<8x8x129xf32, #tpu.memory_space<vmem>>[vector<16xi32>, vector<16xi32>, vector<16xi32>], vector<16xf32>,
        %scatter3A_474 = arith.constant 0 : i32
        %scatter3A_475 = arith.constant 0 : i32
        %scatter3A_476 = arith.constant 0 : i32
        %scatter3A_477 = arith.constant 0 : i32
        %scatter3A_478 = tpu.memref_slice %arg7[%scatter3A_474, %scatter3A_475, %scatter3A_476, %scatter3A_477] : memref<2x8x8x129xf32, #tpu.memory_space<vmem>> -> memref<1x8x8x129xf32, #tpu.memory_space<vmem>>
        %scatter3A_479 = tpu.memref_squeeze %scatter3A_478 : memref<1x8x8x129xf32, #tpu.memory_space<vmem>> -> memref<8x8x129xf32, #tpu.memory_space<vmem>>
        tpu.vector_store_idx %scatter3A_479[%shift_right_arithmetic3A_18, %and3A_24, %broadcast_in_dim3A_353], %get3A_369 : memref<8x8x129xf32, #tpu.memory_space<vmem>>[vector<16xi32>, vector<16xi32>, vector<16xi32>], vector<16xf32>,
        %scatter3A_480 = arith.constant 0 : i32
        %scatter3A_481 = arith.constant 0 : i32
        %scatter3A_482 = arith.constant 0 : i32
        %scatter3A_483 = arith.constant 0 : i32
        %scatter3A_484 = tpu.memref_slice %arg7[%scatter3A_480, %scatter3A_481, %scatter3A_482, %scatter3A_483] : memref<2x8x8x129xf32, #tpu.memory_space<vmem>> -> memref<1x8x8x129xf32, #tpu.memory_space<vmem>>
        %scatter3A_485 = tpu.memref_squeeze %scatter3A_484 : memref<1x8x8x129xf32, #tpu.memory_space<vmem>> -> memref<8x8x129xf32, #tpu.memory_space<vmem>>
        tpu.vector_store_idx %scatter3A_485[%shift_right_arithmetic3A_30, %and3A_36, %broadcast_in_dim3A_353], %get3A_377 : memref<8x8x129xf32, #tpu.memory_space<vmem>>[vector<16xi32>, vector<16xi32>, vector<16xi32>], vector<16xf32>,
        %scatter3A_486 = arith.constant 0 : i32
        %scatter3A_487 = arith.constant 0 : i32
        %scatter3A_488 = arith.constant 0 : i32
        %scatter3A_489 = arith.constant 0 : i32
        %scatter3A_490 = tpu.memref_slice %arg7[%scatter3A_486, %scatter3A_487, %scatter3A_488, %scatter3A_489] : memref<2x8x8x129xf32, #tpu.memory_space<vmem>> -> memref<1x8x8x129xf32, #tpu.memory_space<vmem>>
        %scatter3A_491 = tpu.memref_squeeze %scatter3A_490 : memref<1x8x8x129xf32, #tpu.memory_space<vmem>> -> memref<8x8x129xf32, #tpu.memory_space<vmem>>
        tpu.vector_store_idx %scatter3A_491[%shift_right_arithmetic3A_42, %and3A_48, %broadcast_in_dim3A_353], %get3A_385 : memref<8x8x129xf32, #tpu.memory_space<vmem>>[vector<16xi32>, vector<16xi32>, vector<16xi32>], vector<16xf32>,
        %scatter3A_492 = arith.constant 0 : i32
        %scatter3A_493 = arith.constant 0 : i32
        %scatter3A_494 = arith.constant 0 : i32
        %scatter3A_495 = arith.constant 0 : i32
        %scatter3A_496 = tpu.memref_slice %arg7[%scatter3A_492, %scatter3A_493, %scatter3A_494, %scatter3A_495] : memref<2x8x8x129xf32, #tpu.memory_space<vmem>> -> memref<1x8x8x129xf32, #tpu.memory_space<vmem>>
        %scatter3A_497 = tpu.memref_squeeze %scatter3A_496 : memref<1x8x8x129xf32, #tpu.memory_space<vmem>> -> memref<8x8x129xf32, #tpu.memory_space<vmem>>
        tpu.vector_store_idx %scatter3A_497[%shift_right_arithmetic3A_7, %and3A_12, %broadcast_in_dim3A_388], %get3A_396 : memref<8x8x129xf32, #tpu.memory_space<vmem>>[vector<16xi32>, vector<16xi32>, vector<16xi32>], vector<16xf32>,
        %scatter3A_498 = arith.constant 0 : i32
        %scatter3A_499 = arith.constant 0 : i32
        %scatter3A_500 = arith.constant 0 : i32
        %scatter3A_501 = arith.constant 0 : i32
        %scatter3A_502 = tpu.memref_slice %arg7[%scatter3A_498, %scatter3A_499, %scatter3A_500, %scatter3A_501] : memref<2x8x8x129xf32, #tpu.memory_space<vmem>> -> memref<1x8x8x129xf32, #tpu.memory_space<vmem>>
        %scatter3A_503 = tpu.memref_squeeze %scatter3A_502 : memref<1x8x8x129xf32, #tpu.memory_space<vmem>> -> memref<8x8x129xf32, #tpu.memory_space<vmem>>
        tpu.vector_store_idx %scatter3A_503[%shift_right_arithmetic3A_18, %and3A_24, %broadcast_in_dim3A_388], %get3A_404 : memref<8x8x129xf32, #tpu.memory_space<vmem>>[vector<16xi32>, vector<16xi32>, vector<16xi32>], vector<16xf32>,
        %scatter3A_504 = arith.constant 0 : i32
        %scatter3A_505 = arith.constant 0 : i32
        %scatter3A_506 = arith.constant 0 : i32
        %scatter3A_507 = arith.constant 0 : i32
        %scatter3A_508 = tpu.memref_slice %arg7[%scatter3A_504, %scatter3A_505, %scatter3A_506, %scatter3A_507] : memref<2x8x8x129xf32, #tpu.memory_space<vmem>> -> memref<1x8x8x129xf32, #tpu.memory_space<vmem>>
        %scatter3A_509 = tpu.memref_squeeze %scatter3A_508 : memref<1x8x8x129xf32, #tpu.memory_space<vmem>> -> memref<8x8x129xf32, #tpu.memory_space<vmem>>
        tpu.vector_store_idx %scatter3A_509[%shift_right_arithmetic3A_30, %and3A_36, %broadcast_in_dim3A_388], %get3A_412 : memref<8x8x129xf32, #tpu.memory_space<vmem>>[vector<16xi32>, vector<16xi32>, vector<16xi32>], vector<16xf32>,
        %scatter3A_510 = arith.constant 0 : i32
        %scatter3A_511 = arith.constant 0 : i32
        %scatter3A_512 = arith.constant 0 : i32
        %scatter3A_513 = arith.constant 0 : i32
        %scatter3A_514 = tpu.memref_slice %arg7[%scatter3A_510, %scatter3A_511, %scatter3A_512, %scatter3A_513] : memref<2x8x8x129xf32, #tpu.memory_space<vmem>> -> memref<1x8x8x129xf32, #tpu.memory_space<vmem>>
        %scatter3A_515 = tpu.memref_squeeze %scatter3A_514 : memref<1x8x8x129xf32, #tpu.memory_space<vmem>> -> memref<8x8x129xf32, #tpu.memory_space<vmem>>
        tpu.vector_store_idx %scatter3A_515[%shift_right_arithmetic3A_42, %and3A_48, %broadcast_in_dim3A_388], %get3A_420 : memref<8x8x129xf32, #tpu.memory_space<vmem>>[vector<16xi32>, vector<16xi32>, vector<16xi32>], vector<16xf32>,
      }
      %scan3A_174 = arith.constant 32 : i32
      %dma_start3A_175 = arith.constant 0 : i32
      %dma_start3A_176 = arith.constant 0 : i32
      %dma_start3A_177 = arith.constant 0 : i32
      %dma_start3A_178 = arith.constant 0 : i32
      %dma_start3A_179 = arith.constant 0 : i32
      %dma_start3A_180 = tpu.memref_slice %arg7[%dma_start3A_175, %dma_start3A_177, %dma_start3A_178, %dma_start3A_179] : memref<2x8x8x129xf32, #tpu.memory_space<vmem>> -> memref<1x8x8x129xf32, #tpu.memory_space<vmem>>
      %dma_start3A_181 = tpu.memref_squeeze %dma_start3A_180 : memref<1x8x8x129xf32, #tpu.memory_space<vmem>> -> memref<8x8x129xf32, #tpu.memory_space<vmem>>
      %dma_start3A_182 = arith.constant 0 : i32
      %dma_start3A_183 = arith.constant 0 : i32
      %dma_start3A_184 = arith.constant 0 : i32
      %dma_start3A_185 = tpu.memref_slice %dma_start3A_181[%dma_start3A_182, %dma_start3A_183, %dma_start3A_184] : memref<8x8x129xf32, #tpu.memory_space<vmem>> -> memref<8x8x128xf32, #tpu.memory_space<vmem>>
      %dma_start3A_186 = arith.constant 0 : i32
      %dma_start3A_187 = arith.constant 0 : i32
      %dma_start3A_188 = arith.constant 0 : i32
      %dma_start3A_189 = tpu.memref_slice %arg4[%add3A_153, %dma_start3A_186, %add3A, %dma_start3A_187, %dma_start3A_188] : memref<50x8x32x8x128xf32, #tpu.memory_space<hbm>> -> memref<1x8x1x8x128xf32, #tpu.memory_space<hbm>>
      %dma_start3A_190 = tpu.memref_squeeze %dma_start3A_189 : memref<1x8x1x8x128xf32, #tpu.memory_space<hbm>> -> memref<8x8x128xf32, #tpu.memory_space<hbm>>
      %dma_start3A_191 = tpu.memref_slice %arg9[%dma_start3A_176] : memref<2x!tpu.dma_semaphore, #tpu.memory_space<semaphore_mem>> -> memref<1x!tpu.dma_semaphore, #tpu.memory_space<semaphore_mem>>
      %dma_start3A_192 = tpu.memref_squeeze %dma_start3A_191 : memref<1x!tpu.dma_semaphore, #tpu.memory_space<semaphore_mem>> -> memref<!tpu.dma_semaphore, #tpu.memory_space<semaphore_mem>>
      %dma_start3A_193 = arith.constant 0 : i32
      %dma_start3A_194 = arith.constant 0 : i32
      %dma_start3A_195 = arith.constant 0 : i32
      %dma_start3A_196 = tpu.memref_slice %arg4[%add3A_153, %dma_start3A_193, %add3A, %dma_start3A_194, %dma_start3A_195] : memref<50x8x32x8x128xf32, #tpu.memory_space<hbm>> -> memref<1x8x1x8x128xf32, #tpu.memory_space<hbm>>
      %dma_start3A_197 = tpu.memref_squeeze %dma_start3A_196 : memref<1x8x1x8x128xf32, #tpu.memory_space<hbm>> -> memref<8x8x128xf32, #tpu.memory_space<hbm>>
      %dma_start3A_198 = arith.constant 0 : i32
      %dma_start3A_199 = arith.constant 0 : i32
      %dma_start3A_200 = arith.constant 0 : i32
      %dma_start3A_201 = tpu.memref_slice %arg7[%dma_start3A_175, %dma_start3A_198, %dma_start3A_199, %dma_start3A_200] : memref<2x8x8x129xf32, #tpu.memory_space<vmem>> -> memref<1x8x8x129xf32, #tpu.memory_space<vmem>>
      %dma_start3A_202 = tpu.memref_squeeze %dma_start3A_201 : memref<1x8x8x129xf32, #tpu.memory_space<vmem>> -> memref<8x8x129xf32, #tpu.memory_space<vmem>>
      %dma_start3A_203 = arith.constant 0 : i32
      %dma_start3A_204 = arith.constant 0 : i32
      %dma_start3A_205 = arith.constant 0 : i32
      %dma_start3A_206 = tpu.memref_slice %dma_start3A_202[%dma_start3A_203, %dma_start3A_204, %dma_start3A_205] : memref<8x8x129xf32, #tpu.memory_space<vmem>> -> memref<8x8x128xf32, #tpu.memory_space<vmem>>
      tpu.enqueue_dma source(%dma_start3A_206 : memref<8x8x128xf32, #tpu.memory_space<vmem>>) target(%dma_start3A_197 : memref<8x8x128xf32, #tpu.memory_space<hbm>>) target_semaphore(%dma_start3A_192 : memref<!tpu.dma_semaphore, #tpu.memory_space<semaphore_mem>>)
      %add3A_207 = arith.constant 2 : i32
      %add3A_208 = arith.addi %add3A_153, %add3A_207 : i32
      %lt3A = arith.constant 50 : i32
      %lt3A_209 = arith.cmpi slt, %add3A_208, %lt3A : i32
      %convert_element_type3A_210 = arith.extui %lt3A_209 : i1 to i32
      %cond3A_211 = arith.constant 0 : i32
      %cond3A_212 = arith.cmpi ne, %convert_element_type3A_210, %cond3A_211 : i32
      scf.if %cond3A_212 {
        %add3A_278 = arith.constant 2 : i32
        %add3A_279 = arith.addi %add3A_153, %add3A_278 : i32
        %dma_start3A_280 = arith.constant 0 : i32
        %dma_start3A_281 = arith.constant 0 : i32
        %dma_start3A_282 = arith.constant 0 : i32
        %dma_start3A_283 = arith.constant 0 : i32
        %dma_start3A_284 = tpu.memref_slice %arg6[%dma_start3A_280, %dma_start3A_282, %dma_start3A_283] : memref<2x128x64xf32, #tpu.memory_space<vmem>> -> memref<1x128x64xf32, #tpu.memory_space<vmem>>
        %dma_start3A_285 = tpu.memref_squeeze %dma_start3A_284 : memref<1x128x64xf32, #tpu.memory_space<vmem>> -> memref<128x64xf32, #tpu.memory_space<vmem>>
        %dma_start3A_286 = arith.constant 0 : i32
        %dma_start3A_287 = tpu.memref_slice %arg5[%add3A_279, %dma_start3A_286] : memref<50x128xi32, #tpu.memory_space<vmem>> -> memref<1x128xi32, #tpu.memory_space<vmem>>
        %dma_start3A_288 = tpu.memref_squeeze %dma_start3A_287 : memref<1x128xi32, #tpu.memory_space<vmem>> -> memref<128xi32, #tpu.memory_space<vmem>>
        %dma_start3A_289 = arith.constant 0 : i32
        %dma_start3A_290 = arith.constant 0 : i32
        %dma_start3A_291 = tpu.memref_slice %arg3[%dma_start3A_289, %dma_start3A_290] : memref<100000x64xf32, #tpu.memory_space<hbm>> -> memref<100000x64xf32, #tpu.memory_space<hbm>>
        %dma_start3A_292 = tpu.memref_slice %arg8[%dma_start3A_281] : memref<2x!tpu.dma_semaphore, #tpu.memory_space<semaphore_mem>> -> memref<1x!tpu.dma_semaphore, #tpu.memory_space<semaphore_mem>>
        %dma_start3A_293 = tpu.memref_squeeze %dma_start3A_292 : memref<1x!tpu.dma_semaphore, #tpu.memory_space<semaphore_mem>> -> memref<!tpu.dma_semaphore, #tpu.memory_space<semaphore_mem>>
        tpu.enqueue_indirect_dma source(%dma_start3A_291 : memref<100000x64xf32, #tpu.memory_space<hbm>>) target(%dma_start3A_285 : memref<128x64xf32, #tpu.memory_space<vmem>>) offsets(%dma_start3A_288 : memref<128xi32, #tpu.memory_space<vmem>>) semaphore(%dma_start3A_293 : memref<!tpu.dma_semaphore, #tpu.memory_space<semaphore_mem>>)
      } else {
      }
      %add3A_213 = arith.constant 1 : i32
      %add3A_214 = arith.addi %add3A_151, %add3A_213 : i32
      %dma_wait3A_215 = arith.constant 1 : i32
      %dma_wait3A_216 = arith.constant 1 : i32
      %dma_wait3A_217 = arith.constant 0 : i32
      %dma_wait3A_218 = arith.constant 0 : i32
      %dma_wait3A_219 = tpu.memref_slice %arg6[%dma_wait3A_215, %dma_wait3A_217, %dma_wait3A_218] : memref<2x128x64xf32, #tpu.memory_space<vmem>> -> memref<1x128x64xf32, #tpu.memory_space<vmem>>
      %dma_wait3A_220 = tpu.memref_squeeze %dma_wait3A_219 : memref<1x128x64xf32, #tpu.memory_space<vmem>> -> memref<128x64xf32, #tpu.memory_space<vmem>>
      %dma_wait3A_221 = arith.constant 0 : i32
      %dma_wait3A_222 = tpu.memref_slice %arg5[%add3A_214, %dma_wait3A_221] : memref<50x128xi32, #tpu.memory_space<vmem>> -> memref<1x128xi32, #tpu.memory_space<vmem>>
      %dma_wait3A_223 = tpu.memref_squeeze %dma_wait3A_222 : memref<1x128xi32, #tpu.memory_space<vmem>> -> memref<128xi32, #tpu.memory_space<vmem>>
      %dma_wait3A_224 = arith.constant 0 : i32
      %dma_wait3A_225 = arith.constant 0 : i32
      %dma_wait3A_226 = tpu.memref_slice %arg3[%dma_wait3A_224, %dma_wait3A_225] : memref<100000x64xf32, #tpu.memory_space<hbm>> -> memref<100000x64xf32, #tpu.memory_space<hbm>>
      %dma_wait3A_227 = tpu.memref_slice %arg8[%dma_wait3A_216] : memref<2x!tpu.dma_semaphore, #tpu.memory_space<semaphore_mem>> -> memref<1x!tpu.dma_semaphore, #tpu.memory_space<semaphore_mem>>
      %dma_wait3A_228 = tpu.memref_squeeze %dma_wait3A_227 : memref<1x!tpu.dma_semaphore, #tpu.memory_space<semaphore_mem>> -> memref<!tpu.dma_semaphore, #tpu.memory_space<semaphore_mem>>
      tpu.wait_indirect_dma semaphore(%dma_wait3A_228 : memref<!tpu.dma_semaphore, #tpu.memory_space<semaphore_mem>>) src(%dma_wait3A_226 : memref<100000x64xf32, #tpu.memory_space<hbm>>) dst(%dma_wait3A_220 : memref<128x64xf32, #tpu.memory_space<vmem>>)
      %ge3A_229 = arith.constant 2 : i32
      %ge3A_230 = arith.cmpi sge, %add3A_214, %ge3A_229 : i32
      %convert_element_type3A_231 = arith.extui %ge3A_230 : i1 to i32
      %cond3A_232 = arith.constant 0 : i32
      %cond3A_233 = arith.cmpi ne, %convert_element_type3A_231, %cond3A_232 : i32
      scf.if %cond3A_233 {
        %sub3A = arith.constant 2 : i32
        %sub3A_278 = arith.subi %add3A_214, %sub3A : i32
        %dma_wait3A_279 = arith.constant 1 : i32
        %dma_wait3A_280 = arith.constant 1 : i32
        %dma_wait3A_281 = arith.constant 0 : i32
        %dma_wait3A_282 = arith.constant 0 : i32
        %dma_wait3A_283 = arith.constant 0 : i32
        %dma_wait3A_284 = tpu.memref_slice %arg7[%dma_wait3A_279, %dma_wait3A_281, %dma_wait3A_282, %dma_wait3A_283] : memref<2x8x8x129xf32, #tpu.memory_space<vmem>> -> memref<1x8x8x129xf32, #tpu.memory_space<vmem>>
        %dma_wait3A_285 = tpu.memref_squeeze %dma_wait3A_284 : memref<1x8x8x129xf32, #tpu.memory_space<vmem>> -> memref<8x8x129xf32, #tpu.memory_space<vmem>>
        %dma_wait3A_286 = arith.constant 0 : i32
        %dma_wait3A_287 = arith.constant 0 : i32
        %dma_wait3A_288 = arith.constant 0 : i32
        %dma_wait3A_289 = tpu.memref_slice %dma_wait3A_285[%dma_wait3A_286, %dma_wait3A_287, %dma_wait3A_288] : memref<8x8x129xf32, #tpu.memory_space<vmem>> -> memref<8x8x128xf32, #tpu.memory_space<vmem>>
        %dma_wait3A_290 = arith.constant 0 : i32
        %dma_wait3A_291 = arith.constant 0 : i32
        %dma_wait3A_292 = arith.constant 0 : i32
        %dma_wait3A_293 = tpu.memref_slice %arg4[%sub3A_278, %dma_wait3A_290, %add3A, %dma_wait3A_291, %dma_wait3A_292] : memref<50x8x32x8x128xf32, #tpu.memory_space<hbm>> -> memref<1x8x1x8x128xf32, #tpu.memory_space<hbm>>
        %dma_wait3A_294 = tpu.memref_squeeze %dma_wait3A_293 : memref<1x8x1x8x128xf32, #tpu.memory_space<hbm>> -> memref<8x8x128xf32, #tpu.memory_space<hbm>>
        %dma_wait3A_295 = tpu.memref_slice %arg9[%dma_wait3A_280] : memref<2x!tpu.dma_semaphore, #tpu.memory_space<semaphore_mem>> -> memref<1x!tpu.dma_semaphore, #tpu.memory_space<semaphore_mem>>
        %dma_wait3A_296 = tpu.memref_squeeze %dma_wait3A_295 : memref<1x!tpu.dma_semaphore, #tpu.memory_space<semaphore_mem>> -> memref<!tpu.dma_semaphore, #tpu.memory_space<semaphore_mem>>
        %dma_wait3A_297 = arith.constant 0 : i32
        %dma_wait3A_298 = arith.constant 0 : i32
        %dma_wait3A_299 = arith.constant 0 : i32
        %dma_wait3A_300 = tpu.memref_slice %arg4[%sub3A_278, %dma_wait3A_297, %add3A, %dma_wait3A_298, %dma_wait3A_299] : memref<50x8x32x8x128xf32, #tpu.memory_space<hbm>> -> memref<1x8x1x8x128xf32, #tpu.memory_space<hbm>>
        %dma_wait3A_301 = tpu.memref_squeeze %dma_wait3A_300 : memref<1x8x1x8x128xf32, #tpu.memory_space<hbm>> -> memref<8x8x128xf32, #tpu.memory_space<hbm>>
        %dma_wait3A_302 = arith.constant 0 : i32
        %dma_wait3A_303 = arith.constant 0 : i32
        %dma_wait3A_304 = arith.constant 0 : i32
        %dma_wait3A_305 = tpu.memref_slice %arg7[%dma_wait3A_279, %dma_wait3A_302, %dma_wait3A_303, %dma_wait3A_304] : memref<2x8x8x129xf32, #tpu.memory_space<vmem>> -> memref<1x8x8x129xf32, #tpu.memory_space<vmem>>
        %dma_wait3A_306 = tpu.memref_squeeze %dma_wait3A_305 : memref<1x8x8x129xf32, #tpu.memory_space<vmem>> -> memref<8x8x129xf32, #tpu.memory_space<vmem>>
        %dma_wait3A_307 = arith.constant 0 : i32
        %dma_wait3A_308 = arith.constant 0 : i32
        %dma_wait3A_309 = arith.constant 0 : i32
        %dma_wait3A_310 = tpu.memref_slice %dma_wait3A_306[%dma_wait3A_307, %dma_wait3A_308, %dma_wait3A_309] : memref<8x8x129xf32, #tpu.memory_space<vmem>> -> memref<8x8x128xf32, #tpu.memory_space<vmem>>
        tpu.wait_dma2 semaphore(%dma_wait3A_296 : memref<!tpu.dma_semaphore, #tpu.memory_space<semaphore_mem>>) src(%dma_wait3A_310 : memref<8x8x128xf32, #tpu.memory_space<vmem>>) dst(%dma_wait3A_301 : memref<8x8x128xf32, #tpu.memory_space<hbm>>)
      } else {
      }
      %scan3A_234 = arith.constant 0 : i32
      %scan3A_235 = arith.constant 32 : i32
      %scan3A_236 = arith.addi %scan3A_234, %scan3A_235 : i32
      %scan3A_237 = arith.constant 1 : i32
      scf.for %scan3A_278 = %scan3A_234 to %scan3A_236 step %scan3A_237  : i32 {
        %mul3A_279 = arith.constant 4 : i32
        %mul3A_280 = arith.muli %scan3A_278, %mul3A_279 : i32
        %add3A_281 = arith.constant 0 : i32
        %add3A_282 = arith.addi %add3A_281, %mul3A_280 : i32
        %add3A_283 = arith.constant 0 : i32
        %add3A_284 = arith.addi %add3A_282, %add3A_283 : i32
        %broadcast_in_dim3A = vector.broadcast %add3A_284 : i32 to vector<16xi32>
        %get3A = arith.constant 1 : i32
        %get3A_285 = arith.constant 0 : i32
        %get3A_286 = arith.constant 0 : i32
        %get3A_287 = tpu.memref_slice %arg6[%get3A, %get3A_285, %get3A_286] : memref<2x128x64xf32, #tpu.memory_space<vmem>> -> memref<1x128x64xf32, #tpu.memory_space<vmem>>
        %get3A_288 = tpu.memref_squeeze %get3A_287 : memref<1x128x64xf32, #tpu.memory_space<vmem>> -> memref<128x64xf32, #tpu.memory_space<vmem>>
        %get3A_289 = arith.index_cast %add3A_284 : i32 to index
        %get3A_290 = arith.constant 0 : index
        %get3A_291 = tpu.vector_load %get3A_288[%get3A_289, %get3A_290] {strides = array<i32>} : memref<128x64xf32, #tpu.memory_space<vmem>>, vector<16xf32>,
        %get3A_292 = arith.constant 1 : i32
        %get3A_293 = arith.constant 0 : i32
        %get3A_294 = arith.constant 0 : i32
        %get3A_295 = tpu.memref_slice %arg6[%get3A_292, %get3A_293, %get3A_294] : memref<2x128x64xf32, #tpu.memory_space<vmem>> -> memref<1x128x64xf32, #tpu.memory_space<vmem>>
        %get3A_296 = tpu.memref_squeeze %get3A_295 : memref<1x128x64xf32, #tpu.memory_space<vmem>> -> memref<128x64xf32, #tpu.memory_space<vmem>>
        %get3A_297 = arith.index_cast %add3A_284 : i32 to index
        %get3A_298 = arith.constant 16 : index
        %get3A_299 = tpu.vector_load %get3A_296[%get3A_297, %get3A_298] {strides = array<i32>} : memref<128x64xf32, #tpu.memory_space<vmem>>, vector<16xf32>,
        %get3A_300 = arith.constant 1 : i32
        %get3A_301 = arith.constant 0 : i32
        %get3A_302 = arith.constant 0 : i32
        %get3A_303 = tpu.memref_slice %arg6[%get3A_300, %get3A_301, %get3A_302] : memref<2x128x64xf32, #tpu.memory_space<vmem>> -> memref<1x128x64xf32, #tpu.memory_space<vmem>>
        %get3A_304 = tpu.memref_squeeze %get3A_303 : memref<1x128x64xf32, #tpu.memory_space<vmem>> -> memref<128x64xf32, #tpu.memory_space<vmem>>
        %get3A_305 = arith.index_cast %add3A_284 : i32 to index
        %get3A_306 = arith.constant 32 : index
        %get3A_307 = tpu.vector_load %get3A_304[%get3A_305, %get3A_306] {strides = array<i32>} : memref<128x64xf32, #tpu.memory_space<vmem>>, vector<16xf32>,
        %get3A_308 = arith.constant 1 : i32
        %get3A_309 = arith.constant 0 : i32
        %get3A_310 = arith.constant 0 : i32
        %get3A_311 = tpu.memref_slice %arg6[%get3A_308, %get3A_309, %get3A_310] : memref<2x128x64xf32, #tpu.memory_space<vmem>> -> memref<1x128x64xf32, #tpu.memory_space<vmem>>
        %get3A_312 = tpu.memref_squeeze %get3A_311 : memref<1x128x64xf32, #tpu.memory_space<vmem>> -> memref<128x64xf32, #tpu.memory_space<vmem>>
        %get3A_313 = arith.index_cast %add3A_284 : i32 to index
        %get3A_314 = arith.constant 48 : index
        %get3A_315 = tpu.vector_load %get3A_312[%get3A_313, %get3A_314] {strides = array<i32>} : memref<128x64xf32, #tpu.memory_space<vmem>>, vector<16xf32>,
        %add3A_316 = arith.constant 1 : i32
        %add3A_317 = arith.addi %add3A_282, %add3A_316 : i32
        %broadcast_in_dim3A_318 = vector.broadcast %add3A_317 : i32 to vector<16xi32>
        %get3A_319 = arith.constant 1 : i32
        %get3A_320 = arith.constant 0 : i32
        %get3A_321 = arith.constant 0 : i32
        %get3A_322 = tpu.memref_slice %arg6[%get3A_319, %get3A_320, %get3A_321] : memref<2x128x64xf32, #tpu.memory_space<vmem>> -> memref<1x128x64xf32, #tpu.memory_space<vmem>>
        %get3A_323 = tpu.memref_squeeze %get3A_322 : memref<1x128x64xf32, #tpu.memory_space<vmem>> -> memref<128x64xf32, #tpu.memory_space<vmem>>
        %get3A_324 = arith.index_cast %add3A_317 : i32 to index
        %get3A_325 = arith.constant 0 : index
        %get3A_326 = tpu.vector_load %get3A_323[%get3A_324, %get3A_325] {strides = array<i32>} : memref<128x64xf32, #tpu.memory_space<vmem>>, vector<16xf32>,
        %get3A_327 = arith.constant 1 : i32
        %get3A_328 = arith.constant 0 : i32
        %get3A_329 = arith.constant 0 : i32
        %get3A_330 = tpu.memref_slice %arg6[%get3A_327, %get3A_328, %get3A_329] : memref<2x128x64xf32, #tpu.memory_space<vmem>> -> memref<1x128x64xf32, #tpu.memory_space<vmem>>
        %get3A_331 = tpu.memref_squeeze %get3A_330 : memref<1x128x64xf32, #tpu.memory_space<vmem>> -> memref<128x64xf32, #tpu.memory_space<vmem>>
        %get3A_332 = arith.index_cast %add3A_317 : i32 to index
        %get3A_333 = arith.constant 16 : index
        %get3A_334 = tpu.vector_load %get3A_331[%get3A_332, %get3A_333] {strides = array<i32>} : memref<128x64xf32, #tpu.memory_space<vmem>>, vector<16xf32>,
        %get3A_335 = arith.constant 1 : i32
        %get3A_336 = arith.constant 0 : i32
        %get3A_337 = arith.constant 0 : i32
        %get3A_338 = tpu.memref_slice %arg6[%get3A_335, %get3A_336, %get3A_337] : memref<2x128x64xf32, #tpu.memory_space<vmem>> -> memref<1x128x64xf32, #tpu.memory_space<vmem>>
        %get3A_339 = tpu.memref_squeeze %get3A_338 : memref<1x128x64xf32, #tpu.memory_space<vmem>> -> memref<128x64xf32, #tpu.memory_space<vmem>>
        %get3A_340 = arith.index_cast %add3A_317 : i32 to index
        %get3A_341 = arith.constant 32 : index
        %get3A_342 = tpu.vector_load %get3A_339[%get3A_340, %get3A_341] {strides = array<i32>} : memref<128x64xf32, #tpu.memory_space<vmem>>, vector<16xf32>,
        %get3A_343 = arith.constant 1 : i32
        %get3A_344 = arith.constant 0 : i32
        %get3A_345 = arith.constant 0 : i32
        %get3A_346 = tpu.memref_slice %arg6[%get3A_343, %get3A_344, %get3A_345] : memref<2x128x64xf32, #tpu.memory_space<vmem>> -> memref<1x128x64xf32, #tpu.memory_space<vmem>>
        %get3A_347 = tpu.memref_squeeze %get3A_346 : memref<1x128x64xf32, #tpu.memory_space<vmem>> -> memref<128x64xf32, #tpu.memory_space<vmem>>
        %get3A_348 = arith.index_cast %add3A_317 : i32 to index
        %get3A_349 = arith.constant 48 : index
        %get3A_350 = tpu.vector_load %get3A_347[%get3A_348, %get3A_349] {strides = array<i32>} : memref<128x64xf32, #tpu.memory_space<vmem>>, vector<16xf32>,
        %add3A_351 = arith.constant 2 : i32
        %add3A_352 = arith.addi %add3A_282, %add3A_351 : i32
        %broadcast_in_dim3A_353 = vector.broadcast %add3A_352 : i32 to vector<16xi32>
        %get3A_354 = arith.constant 1 : i32
        %get3A_355 = arith.constant 0 : i32
        %get3A_356 = arith.constant 0 : i32
        %get3A_357 = tpu.memref_slice %arg6[%get3A_354, %get3A_355, %get3A_356] : memref<2x128x64xf32, #tpu.memory_space<vmem>> -> memref<1x128x64xf32, #tpu.memory_space<vmem>>
        %get3A_358 = tpu.memref_squeeze %get3A_357 : memref<1x128x64xf32, #tpu.memory_space<vmem>> -> memref<128x64xf32, #tpu.memory_space<vmem>>
        %get3A_359 = arith.index_cast %add3A_352 : i32 to index
        %get3A_360 = arith.constant 0 : index
        %get3A_361 = tpu.vector_load %get3A_358[%get3A_359, %get3A_360] {strides = array<i32>} : memref<128x64xf32, #tpu.memory_space<vmem>>, vector<16xf32>,
        %get3A_362 = arith.constant 1 : i32
        %get3A_363 = arith.constant 0 : i32
        %get3A_364 = arith.constant 0 : i32
        %get3A_365 = tpu.memref_slice %arg6[%get3A_362, %get3A_363, %get3A_364] : memref<2x128x64xf32, #tpu.memory_space<vmem>> -> memref<1x128x64xf32, #tpu.memory_space<vmem>>
        %get3A_366 = tpu.memref_squeeze %get3A_365 : memref<1x128x64xf32, #tpu.memory_space<vmem>> -> memref<128x64xf32, #tpu.memory_space<vmem>>
        %get3A_367 = arith.index_cast %add3A_352 : i32 to index
        %get3A_368 = arith.constant 16 : index
        %get3A_369 = tpu.vector_load %get3A_366[%get3A_367, %get3A_368] {strides = array<i32>} : memref<128x64xf32, #tpu.memory_space<vmem>>, vector<16xf32>,
        %get3A_370 = arith.constant 1 : i32
        %get3A_371 = arith.constant 0 : i32
        %get3A_372 = arith.constant 0 : i32
        %get3A_373 = tpu.memref_slice %arg6[%get3A_370, %get3A_371, %get3A_372] : memref<2x128x64xf32, #tpu.memory_space<vmem>> -> memref<1x128x64xf32, #tpu.memory_space<vmem>>
        %get3A_374 = tpu.memref_squeeze %get3A_373 : memref<1x128x64xf32, #tpu.memory_space<vmem>> -> memref<128x64xf32, #tpu.memory_space<vmem>>
        %get3A_375 = arith.index_cast %add3A_352 : i32 to index
        %get3A_376 = arith.constant 32 : index
        %get3A_377 = tpu.vector_load %get3A_374[%get3A_375, %get3A_376] {strides = array<i32>} : memref<128x64xf32, #tpu.memory_space<vmem>>, vector<16xf32>,
        %get3A_378 = arith.constant 1 : i32
        %get3A_379 = arith.constant 0 : i32
        %get3A_380 = arith.constant 0 : i32
        %get3A_381 = tpu.memref_slice %arg6[%get3A_378, %get3A_379, %get3A_380] : memref<2x128x64xf32, #tpu.memory_space<vmem>> -> memref<1x128x64xf32, #tpu.memory_space<vmem>>
        %get3A_382 = tpu.memref_squeeze %get3A_381 : memref<1x128x64xf32, #tpu.memory_space<vmem>> -> memref<128x64xf32, #tpu.memory_space<vmem>>
        %get3A_383 = arith.index_cast %add3A_352 : i32 to index
        %get3A_384 = arith.constant 48 : index
        %get3A_385 = tpu.vector_load %get3A_382[%get3A_383, %get3A_384] {strides = array<i32>} : memref<128x64xf32, #tpu.memory_space<vmem>>, vector<16xf32>,
        %add3A_386 = arith.constant 3 : i32
        %add3A_387 = arith.addi %add3A_282, %add3A_386 : i32
        %broadcast_in_dim3A_388 = vector.broadcast %add3A_387 : i32 to vector<16xi32>
        %get3A_389 = arith.constant 1 : i32
        %get3A_390 = arith.constant 0 : i32
        %get3A_391 = arith.constant 0 : i32
        %get3A_392 = tpu.memref_slice %arg6[%get3A_389, %get3A_390, %get3A_391] : memref<2x128x64xf32, #tpu.memory_space<vmem>> -> memref<1x128x64xf32, #tpu.memory_space<vmem>>
        %get3A_393 = tpu.memref_squeeze %get3A_392 : memref<1x128x64xf32, #tpu.memory_space<vmem>> -> memref<128x64xf32, #tpu.memory_space<vmem>>
        %get3A_394 = arith.index_cast %add3A_387 : i32 to index
        %get3A_395 = arith.constant 0 : index
        %get3A_396 = tpu.vector_load %get3A_393[%get3A_394, %get3A_395] {strides = array<i32>} : memref<128x64xf32, #tpu.memory_space<vmem>>, vector<16xf32>,
        %get3A_397 = arith.constant 1 : i32
        %get3A_398 = arith.constant 0 : i32
        %get3A_399 = arith.constant 0 : i32
        %get3A_400 = tpu.memref_slice %arg6[%get3A_397, %get3A_398, %get3A_399] : memref<2x128x64xf32, #tpu.memory_space<vmem>> -> memref<1x128x64xf32, #tpu.memory_space<vmem>>
        %get3A_401 = tpu.memref_squeeze %get3A_400 : memref<1x128x64xf32, #tpu.memory_space<vmem>> -> memref<128x64xf32, #tpu.memory_space<vmem>>
        %get3A_402 = arith.index_cast %add3A_387 : i32 to index
        %get3A_403 = arith.constant 16 : index
        %get3A_404 = tpu.vector_load %get3A_401[%get3A_402, %get3A_403] {strides = array<i32>} : memref<128x64xf32, #tpu.memory_space<vmem>>, vector<16xf32>,
        %get3A_405 = arith.constant 1 : i32
        %get3A_406 = arith.constant 0 : i32
        %get3A_407 = arith.constant 0 : i32
        %get3A_408 = tpu.memref_slice %arg6[%get3A_405, %get3A_406, %get3A_407] : memref<2x128x64xf32, #tpu.memory_space<vmem>> -> memref<1x128x64xf32, #tpu.memory_space<vmem>>
        %get3A_409 = tpu.memref_squeeze %get3A_408 : memref<1x128x64xf32, #tpu.memory_space<vmem>> -> memref<128x64xf32, #tpu.memory_space<vmem>>
        %get3A_410 = arith.index_cast %add3A_387 : i32 to index
        %get3A_411 = arith.constant 32 : index
        %get3A_412 = tpu.vector_load %get3A_409[%get3A_410, %get3A_411] {strides = array<i32>} : memref<128x64xf32, #tpu.memory_space<vmem>>, vector<16xf32>,
        %get3A_413 = arith.constant 1 : i32
        %get3A_414 = arith.constant 0 : i32
        %get3A_415 = arith.constant 0 : i32
        %get3A_416 = tpu.memref_slice %arg6[%get3A_413, %get3A_414, %get3A_415] : memref<2x128x64xf32, #tpu.memory_space<vmem>> -> memref<1x128x64xf32, #tpu.memory_space<vmem>>
        %get3A_417 = tpu.memref_squeeze %get3A_416 : memref<1x128x64xf32, #tpu.memory_space<vmem>> -> memref<128x64xf32, #tpu.memory_space<vmem>>
        %get3A_418 = arith.index_cast %add3A_387 : i32 to index
        %get3A_419 = arith.constant 48 : index
        %get3A_420 = tpu.vector_load %get3A_417[%get3A_418, %get3A_419] {strides = array<i32>} : memref<128x64xf32, #tpu.memory_space<vmem>>, vector<16xf32>,
        %scatter3A = arith.constant 1 : i32
        %scatter3A_421 = arith.constant 0 : i32
        %scatter3A_422 = arith.constant 0 : i32
        %scatter3A_423 = arith.constant 0 : i32
        %scatter3A_424 = tpu.memref_slice %arg7[%scatter3A, %scatter3A_421, %scatter3A_422, %scatter3A_423] : memref<2x8x8x129xf32, #tpu.memory_space<vmem>> -> memref<1x8x8x129xf32, #tpu.memory_space<vmem>>
        %scatter3A_425 = tpu.memref_squeeze %scatter3A_424 : memref<1x8x8x129xf32, #tpu.memory_space<vmem>> -> memref<8x8x129xf32, #tpu.memory_space<vmem>>
        tpu.vector_store_idx %scatter3A_425[%shift_right_arithmetic3A_7, %and3A_12, %broadcast_in_dim3A], %get3A_291 : memref<8x8x129xf32, #tpu.memory_space<vmem>>[vector<16xi32>, vector<16xi32>, vector<16xi32>], vector<16xf32>,
        %scatter3A_426 = arith.constant 1 : i32
        %scatter3A_427 = arith.constant 0 : i32
        %scatter3A_428 = arith.constant 0 : i32
        %scatter3A_429 = arith.constant 0 : i32
        %scatter3A_430 = tpu.memref_slice %arg7[%scatter3A_426, %scatter3A_427, %scatter3A_428, %scatter3A_429] : memref<2x8x8x129xf32, #tpu.memory_space<vmem>> -> memref<1x8x8x129xf32, #tpu.memory_space<vmem>>
        %scatter3A_431 = tpu.memref_squeeze %scatter3A_430 : memref<1x8x8x129xf32, #tpu.memory_space<vmem>> -> memref<8x8x129xf32, #tpu.memory_space<vmem>>
        tpu.vector_store_idx %scatter3A_431[%shift_right_arithmetic3A_18, %and3A_24, %broadcast_in_dim3A], %get3A_299 : memref<8x8x129xf32, #tpu.memory_space<vmem>>[vector<16xi32>, vector<16xi32>, vector<16xi32>], vector<16xf32>,
        %scatter3A_432 = arith.constant 1 : i32
        %scatter3A_433 = arith.constant 0 : i32
        %scatter3A_434 = arith.constant 0 : i32
        %scatter3A_435 = arith.constant 0 : i32
        %scatter3A_436 = tpu.memref_slice %arg7[%scatter3A_432, %scatter3A_433, %scatter3A_434, %scatter3A_435] : memref<2x8x8x129xf32, #tpu.memory_space<vmem>> -> memref<1x8x8x129xf32, #tpu.memory_space<vmem>>
        %scatter3A_437 = tpu.memref_squeeze %scatter3A_436 : memref<1x8x8x129xf32, #tpu.memory_space<vmem>> -> memref<8x8x129xf32, #tpu.memory_space<vmem>>
        tpu.vector_store_idx %scatter3A_437[%shift_right_arithmetic3A_30, %and3A_36, %broadcast_in_dim3A], %get3A_307 : memref<8x8x129xf32, #tpu.memory_space<vmem>>[vector<16xi32>, vector<16xi32>, vector<16xi32>], vector<16xf32>,
        %scatter3A_438 = arith.constant 1 : i32
        %scatter3A_439 = arith.constant 0 : i32
        %scatter3A_440 = arith.constant 0 : i32
        %scatter3A_441 = arith.constant 0 : i32
        %scatter3A_442 = tpu.memref_slice %arg7[%scatter3A_438, %scatter3A_439, %scatter3A_440, %scatter3A_441] : memref<2x8x8x129xf32, #tpu.memory_space<vmem>> -> memref<1x8x8x129xf32, #tpu.memory_space<vmem>>
        %scatter3A_443 = tpu.memref_squeeze %scatter3A_442 : memref<1x8x8x129xf32, #tpu.memory_space<vmem>> -> memref<8x8x129xf32, #tpu.memory_space<vmem>>
        tpu.vector_store_idx %scatter3A_443[%shift_right_arithmetic3A_42, %and3A_48, %broadcast_in_dim3A], %get3A_315 : memref<8x8x129xf32, #tpu.memory_space<vmem>>[vector<16xi32>, vector<16xi32>, vector<16xi32>], vector<16xf32>,
        %scatter3A_444 = arith.constant 1 : i32
        %scatter3A_445 = arith.constant 0 : i32
        %scatter3A_446 = arith.constant 0 : i32
        %scatter3A_447 = arith.constant 0 : i32
        %scatter3A_448 = tpu.memref_slice %arg7[%scatter3A_444, %scatter3A_445, %scatter3A_446, %scatter3A_447] : memref<2x8x8x129xf32, #tpu.memory_space<vmem>> -> memref<1x8x8x129xf32, #tpu.memory_space<vmem>>
        %scatter3A_449 = tpu.memref_squeeze %scatter3A_448 : memref<1x8x8x129xf32, #tpu.memory_space<vmem>> -> memref<8x8x129xf32, #tpu.memory_space<vmem>>
        tpu.vector_store_idx %scatter3A_449[%shift_right_arithmetic3A_7, %and3A_12, %broadcast_in_dim3A_318], %get3A_326 : memref<8x8x129xf32, #tpu.memory_space<vmem>>[vector<16xi32>, vector<16xi32>, vector<16xi32>], vector<16xf32>,
        %scatter3A_450 = arith.constant 1 : i32
        %scatter3A_451 = arith.constant 0 : i32
        %scatter3A_452 = arith.constant 0 : i32
        %scatter3A_453 = arith.constant 0 : i32
        %scatter3A_454 = tpu.memref_slice %arg7[%scatter3A_450, %scatter3A_451, %scatter3A_452, %scatter3A_453] : memref<2x8x8x129xf32, #tpu.memory_space<vmem>> -> memref<1x8x8x129xf32, #tpu.memory_space<vmem>>
        %scatter3A_455 = tpu.memref_squeeze %scatter3A_454 : memref<1x8x8x129xf32, #tpu.memory_space<vmem>> -> memref<8x8x129xf32, #tpu.memory_space<vmem>>
        tpu.vector_store_idx %scatter3A_455[%shift_right_arithmetic3A_18, %and3A_24, %broadcast_in_dim3A_318], %get3A_334 : memref<8x8x129xf32, #tpu.memory_space<vmem>>[vector<16xi32>, vector<16xi32>, vector<16xi32>], vector<16xf32>,
        %scatter3A_456 = arith.constant 1 : i32
        %scatter3A_457 = arith.constant 0 : i32
        %scatter3A_458 = arith.constant 0 : i32
        %scatter3A_459 = arith.constant 0 : i32
        %scatter3A_460 = tpu.memref_slice %arg7[%scatter3A_456, %scatter3A_457, %scatter3A_458, %scatter3A_459] : memref<2x8x8x129xf32, #tpu.memory_space<vmem>> -> memref<1x8x8x129xf32, #tpu.memory_space<vmem>>
        %scatter3A_461 = tpu.memref_squeeze %scatter3A_460 : memref<1x8x8x129xf32, #tpu.memory_space<vmem>> -> memref<8x8x129xf32, #tpu.memory_space<vmem>>
        tpu.vector_store_idx %scatter3A_461[%shift_right_arithmetic3A_30, %and3A_36, %broadcast_in_dim3A_318], %get3A_342 : memref<8x8x129xf32, #tpu.memory_space<vmem>>[vector<16xi32>, vector<16xi32>, vector<16xi32>], vector<16xf32>,
        %scatter3A_462 = arith.constant 1 : i32
        %scatter3A_463 = arith.constant 0 : i32
        %scatter3A_464 = arith.constant 0 : i32
        %scatter3A_465 = arith.constant 0 : i32
        %scatter3A_466 = tpu.memref_slice %arg7[%scatter3A_462, %scatter3A_463, %scatter3A_464, %scatter3A_465] : memref<2x8x8x129xf32, #tpu.memory_space<vmem>> -> memref<1x8x8x129xf32, #tpu.memory_space<vmem>>
        %scatter3A_467 = tpu.memref_squeeze %scatter3A_466 : memref<1x8x8x129xf32, #tpu.memory_space<vmem>> -> memref<8x8x129xf32, #tpu.memory_space<vmem>>
        tpu.vector_store_idx %scatter3A_467[%shift_right_arithmetic3A_42, %and3A_48, %broadcast_in_dim3A_318], %get3A_350 : memref<8x8x129xf32, #tpu.memory_space<vmem>>[vector<16xi32>, vector<16xi32>, vector<16xi32>], vector<16xf32>,
        %scatter3A_468 = arith.constant 1 : i32
        %scatter3A_469 = arith.constant 0 : i32
        %scatter3A_470 = arith.constant 0 : i32
        %scatter3A_471 = arith.constant 0 : i32
        %scatter3A_472 = tpu.memref_slice %arg7[%scatter3A_468, %scatter3A_469, %scatter3A_470, %scatter3A_471] : memref<2x8x8x129xf32, #tpu.memory_space<vmem>> -> memref<1x8x8x129xf32, #tpu.memory_space<vmem>>
        %scatter3A_473 = tpu.memref_squeeze %scatter3A_472 : memref<1x8x8x129xf32, #tpu.memory_space<vmem>> -> memref<8x8x129xf32, #tpu.memory_space<vmem>>
        tpu.vector_store_idx %scatter3A_473[%shift_right_arithmetic3A_7, %and3A_12, %broadcast_in_dim3A_353], %get3A_361 : memref<8x8x129xf32, #tpu.memory_space<vmem>>[vector<16xi32>, vector<16xi32>, vector<16xi32>], vector<16xf32>,
        %scatter3A_474 = arith.constant 1 : i32
        %scatter3A_475 = arith.constant 0 : i32
        %scatter3A_476 = arith.constant 0 : i32
        %scatter3A_477 = arith.constant 0 : i32
        %scatter3A_478 = tpu.memref_slice %arg7[%scatter3A_474, %scatter3A_475, %scatter3A_476, %scatter3A_477] : memref<2x8x8x129xf32, #tpu.memory_space<vmem>> -> memref<1x8x8x129xf32, #tpu.memory_space<vmem>>
        %scatter3A_479 = tpu.memref_squeeze %scatter3A_478 : memref<1x8x8x129xf32, #tpu.memory_space<vmem>> -> memref<8x8x129xf32, #tpu.memory_space<vmem>>
        tpu.vector_store_idx %scatter3A_479[%shift_right_arithmetic3A_18, %and3A_24, %broadcast_in_dim3A_353], %get3A_369 : memref<8x8x129xf32, #tpu.memory_space<vmem>>[vector<16xi32>, vector<16xi32>, vector<16xi32>], vector<16xf32>,
        %scatter3A_480 = arith.constant 1 : i32
        %scatter3A_481 = arith.constant 0 : i32
        %scatter3A_482 = arith.constant 0 : i32
        %scatter3A_483 = arith.constant 0 : i32
        %scatter3A_484 = tpu.memref_slice %arg7[%scatter3A_480, %scatter3A_481, %scatter3A_482, %scatter3A_483] : memref<2x8x8x129xf32, #tpu.memory_space<vmem>> -> memref<1x8x8x129xf32, #tpu.memory_space<vmem>>
        %scatter3A_485 = tpu.memref_squeeze %scatter3A_484 : memref<1x8x8x129xf32, #tpu.memory_space<vmem>> -> memref<8x8x129xf32, #tpu.memory_space<vmem>>
        tpu.vector_store_idx %scatter3A_485[%shift_right_arithmetic3A_30, %and3A_36, %broadcast_in_dim3A_353], %get3A_377 : memref<8x8x129xf32, #tpu.memory_space<vmem>>[vector<16xi32>, vector<16xi32>, vector<16xi32>], vector<16xf32>,
        %scatter3A_486 = arith.constant 1 : i32
        %scatter3A_487 = arith.constant 0 : i32
        %scatter3A_488 = arith.constant 0 : i32
        %scatter3A_489 = arith.constant 0 : i32
        %scatter3A_490 = tpu.memref_slice %arg7[%scatter3A_486, %scatter3A_487, %scatter3A_488, %scatter3A_489] : memref<2x8x8x129xf32, #tpu.memory_space<vmem>> -> memref<1x8x8x129xf32, #tpu.memory_space<vmem>>
        %scatter3A_491 = tpu.memref_squeeze %scatter3A_490 : memref<1x8x8x129xf32, #tpu.memory_space<vmem>> -> memref<8x8x129xf32, #tpu.memory_space<vmem>>
        tpu.vector_store_idx %scatter3A_491[%shift_right_arithmetic3A_42, %and3A_48, %broadcast_in_dim3A_353], %get3A_385 : memref<8x8x129xf32, #tpu.memory_space<vmem>>[vector<16xi32>, vector<16xi32>, vector<16xi32>], vector<16xf32>,
        %scatter3A_492 = arith.constant 1 : i32
        %scatter3A_493 = arith.constant 0 : i32
        %scatter3A_494 = arith.constant 0 : i32
        %scatter3A_495 = arith.constant 0 : i32
        %scatter3A_496 = tpu.memref_slice %arg7[%scatter3A_492, %scatter3A_493, %scatter3A_494, %scatter3A_495] : memref<2x8x8x129xf32, #tpu.memory_space<vmem>> -> memref<1x8x8x129xf32, #tpu.memory_space<vmem>>
        %scatter3A_497 = tpu.memref_squeeze %scatter3A_496 : memref<1x8x8x129xf32, #tpu.memory_space<vmem>> -> memref<8x8x129xf32, #tpu.memory_space<vmem>>
        tpu.vector_store_idx %scatter3A_497[%shift_right_arithmetic3A_7, %and3A_12, %broadcast_in_dim3A_388], %get3A_396 : memref<8x8x129xf32, #tpu.memory_space<vmem>>[vector<16xi32>, vector<16xi32>, vector<16xi32>], vector<16xf32>,
        %scatter3A_498 = arith.constant 1 : i32
        %scatter3A_499 = arith.constant 0 : i32
        %scatter3A_500 = arith.constant 0 : i32
        %scatter3A_501 = arith.constant 0 : i32
        %scatter3A_502 = tpu.memref_slice %arg7[%scatter3A_498, %scatter3A_499, %scatter3A_500, %scatter3A_501] : memref<2x8x8x129xf32, #tpu.memory_space<vmem>> -> memref<1x8x8x129xf32, #tpu.memory_space<vmem>>
        %scatter3A_503 = tpu.memref_squeeze %scatter3A_502 : memref<1x8x8x129xf32, #tpu.memory_space<vmem>> -> memref<8x8x129xf32, #tpu.memory_space<vmem>>
        tpu.vector_store_idx %scatter3A_503[%shift_right_arithmetic3A_18, %and3A_24, %broadcast_in_dim3A_388], %get3A_404 : memref<8x8x129xf32, #tpu.memory_space<vmem>>[vector<16xi32>, vector<16xi32>, vector<16xi32>], vector<16xf32>,
        %scatter3A_504 = arith.constant 1 : i32
        %scatter3A_505 = arith.constant 0 : i32
        %scatter3A_506 = arith.constant 0 : i32
        %scatter3A_507 = arith.constant 0 : i32
        %scatter3A_508 = tpu.memref_slice %arg7[%scatter3A_504, %scatter3A_505, %scatter3A_506, %scatter3A_507] : memref<2x8x8x129xf32, #tpu.memory_space<vmem>> -> memref<1x8x8x129xf32, #tpu.memory_space<vmem>>
        %scatter3A_509 = tpu.memref_squeeze %scatter3A_508 : memref<1x8x8x129xf32, #tpu.memory_space<vmem>> -> memref<8x8x129xf32, #tpu.memory_space<vmem>>
        tpu.vector_store_idx %scatter3A_509[%shift_right_arithmetic3A_30, %and3A_36, %broadcast_in_dim3A_388], %get3A_412 : memref<8x8x129xf32, #tpu.memory_space<vmem>>[vector<16xi32>, vector<16xi32>, vector<16xi32>], vector<16xf32>,
        %scatter3A_510 = arith.constant 1 : i32
        %scatter3A_511 = arith.constant 0 : i32
        %scatter3A_512 = arith.constant 0 : i32
        %scatter3A_513 = arith.constant 0 : i32
        %scatter3A_514 = tpu.memref_slice %arg7[%scatter3A_510, %scatter3A_511, %scatter3A_512, %scatter3A_513] : memref<2x8x8x129xf32, #tpu.memory_space<vmem>> -> memref<1x8x8x129xf32, #tpu.memory_space<vmem>>
        %scatter3A_515 = tpu.memref_squeeze %scatter3A_514 : memref<1x8x8x129xf32, #tpu.memory_space<vmem>> -> memref<8x8x129xf32, #tpu.memory_space<vmem>>
        tpu.vector_store_idx %scatter3A_515[%shift_right_arithmetic3A_42, %and3A_48, %broadcast_in_dim3A_388], %get3A_420 : memref<8x8x129xf32, #tpu.memory_space<vmem>>[vector<16xi32>, vector<16xi32>, vector<16xi32>], vector<16xf32>,
      }
      %scan3A_238 = arith.constant 32 : i32
      %dma_start3A_239 = arith.constant 1 : i32
      %dma_start3A_240 = arith.constant 1 : i32
      %dma_start3A_241 = arith.constant 0 : i32
      %dma_start3A_242 = arith.constant 0 : i32
      %dma_start3A_243 = arith.constant 0 : i32
      %dma_start3A_244 = tpu.memref_slice %arg7[%dma_start3A_239, %dma_start3A_241, %dma_start3A_242, %dma_start3A_243] : memref<2x8x8x129xf32, #tpu.memory_space<vmem>> -> memref<1x8x8x129xf32, #tpu.memory_space<vmem>>
      %dma_start3A_245 = tpu.memref_squeeze %dma_start3A_244 : memref<1x8x8x129xf32, #tpu.memory_space<vmem>> -> memref<8x8x129xf32, #tpu.memory_space<vmem>>
      %dma_start3A_246 = arith.constant 0 : i32
      %dma_start3A_247 = arith.constant 0 : i32
      %dma_start3A_248 = arith.constant 0 : i32
      %dma_start3A_249 = tpu.memref_slice %dma_start3A_245[%dma_start3A_246, %dma_start3A_247, %dma_start3A_248] : memref<8x8x129xf32, #tpu.memory_space<vmem>> -> memref<8x8x128xf32, #tpu.memory_space<vmem>>
      %dma_start3A_250 = arith.constant 0 : i32
      %dma_start3A_251 = arith.constant 0 : i32
      %dma_start3A_252 = arith.constant 0 : i32
      %dma_start3A_253 = tpu.memref_slice %arg4[%add3A_214, %dma_start3A_250, %add3A, %dma_start3A_251, %dma_start3A_252] : memref<50x8x32x8x128xf32, #tpu.memory_space<hbm>> -> memref<1x8x1x8x128xf32, #tpu.memory_space<hbm>>
      %dma_start3A_254 = tpu.memref_squeeze %dma_start3A_253 : memref<1x8x1x8x128xf32, #tpu.memory_space<hbm>> -> memref<8x8x128xf32, #tpu.memory_space<hbm>>
      %dma_start3A_255 = tpu.memref_slice %arg9[%dma_start3A_240] : memref<2x!tpu.dma_semaphore, #tpu.memory_space<semaphore_mem>> -> memref<1x!tpu.dma_semaphore, #tpu.memory_space<semaphore_mem>>
      %dma_start3A_256 = tpu.memref_squeeze %dma_start3A_255 : memref<1x!tpu.dma_semaphore, #tpu.memory_space<semaphore_mem>> -> memref<!tpu.dma_semaphore, #tpu.memory_space<semaphore_mem>>
      %dma_start3A_257 = arith.constant 0 : i32
      %dma_start3A_258 = arith.constant 0 : i32
      %dma_start3A_259 = arith.constant 0 : i32
      %dma_start3A_260 = tpu.memref_slice %arg4[%add3A_214, %dma_start3A_257, %add3A, %dma_start3A_258, %dma_start3A_259] : memref<50x8x32x8x128xf32, #tpu.memory_space<hbm>> -> memref<1x8x1x8x128xf32, #tpu.memory_space<hbm>>
      %dma_start3A_261 = tpu.memref_squeeze %dma_start3A_260 : memref<1x8x1x8x128xf32, #tpu.memory_space<hbm>> -> memref<8x8x128xf32, #tpu.memory_space<hbm>>
      %dma_start3A_262 = arith.constant 0 : i32
      %dma_start3A_263 = arith.constant 0 : i32
      %dma_start3A_264 = arith.constant 0 : i32
      %dma_start3A_265 = tpu.memref_slice %arg7[%dma_start3A_239, %dma_start3A_262, %dma_start3A_263, %dma_start3A_264] : memref<2x8x8x129xf32, #tpu.memory_space<vmem>> -> memref<1x8x8x129xf32, #tpu.memory_space<vmem>>
      %dma_start3A_266 = tpu.memref_squeeze %dma_start3A_265 : memref<1x8x8x129xf32, #tpu.memory_space<vmem>> -> memref<8x8x129xf32, #tpu.memory_space<vmem>>
      %dma_start3A_267 = arith.constant 0 : i32
      %dma_start3A_268 = arith.constant 0 : i32
      %dma_start3A_269 = arith.constant 0 : i32
      %dma_start3A_270 = tpu.memref_slice %dma_start3A_266[%dma_start3A_267, %dma_start3A_268, %dma_start3A_269] : memref<8x8x129xf32, #tpu.memory_space<vmem>> -> memref<8x8x128xf32, #tpu.memory_space<vmem>>
      tpu.enqueue_dma source(%dma_start3A_270 : memref<8x8x128xf32, #tpu.memory_space<vmem>>) target(%dma_start3A_261 : memref<8x8x128xf32, #tpu.memory_space<hbm>>) target_semaphore(%dma_start3A_256 : memref<!tpu.dma_semaphore, #tpu.memory_space<semaphore_mem>>)
      %add3A_271 = arith.constant 2 : i32
      %add3A_272 = arith.addi %add3A_214, %add3A_271 : i32
      %lt3A_273 = arith.constant 50 : i32
      %lt3A_274 = arith.cmpi slt, %add3A_272, %lt3A_273 : i32
      %convert_element_type3A_275 = arith.extui %lt3A_274 : i1 to i32
      %cond3A_276 = arith.constant 0 : i32
      %cond3A_277 = arith.cmpi ne, %convert_element_type3A_275, %cond3A_276 : i32
      scf.if %cond3A_277 {
        %add3A_278 = arith.constant 2 : i32
        %add3A_279 = arith.addi %add3A_214, %add3A_278 : i32
        %dma_start3A_280 = arith.constant 1 : i32
        %dma_start3A_281 = arith.constant 1 : i32
        %dma_start3A_282 = arith.constant 0 : i32
        %dma_start3A_283 = arith.constant 0 : i32
        %dma_start3A_284 = tpu.memref_slice %arg6[%dma_start3A_280, %dma_start3A_282, %dma_start3A_283] : memref<2x128x64xf32, #tpu.memory_space<vmem>> -> memref<1x128x64xf32, #tpu.memory_space<vmem>>
        %dma_start3A_285 = tpu.memref_squeeze %dma_start3A_284 : memref<1x128x64xf32, #tpu.memory_space<vmem>> -> memref<128x64xf32, #tpu.memory_space<vmem>>
        %dma_start3A_286 = arith.constant 0 : i32
        %dma_start3A_287 = tpu.memref_slice %arg5[%add3A_279, %dma_start3A_286] : memref<50x128xi32, #tpu.memory_space<vmem>> -> memref<1x128xi32, #tpu.memory_space<vmem>>
        %dma_start3A_288 = tpu.memref_squeeze %dma_start3A_287 : memref<1x128xi32, #tpu.memory_space<vmem>> -> memref<128xi32, #tpu.memory_space<vmem>>
        %dma_start3A_289 = arith.constant 0 : i32
        %dma_start3A_290 = arith.constant 0 : i32
        %dma_start3A_291 = tpu.memref_slice %arg3[%dma_start3A_289, %dma_start3A_290] : memref<100000x64xf32, #tpu.memory_space<hbm>> -> memref<100000x64xf32, #tpu.memory_space<hbm>>
        %dma_start3A_292 = tpu.memref_slice %arg8[%dma_start3A_281] : memref<2x!tpu.dma_semaphore, #tpu.memory_space<semaphore_mem>> -> memref<1x!tpu.dma_semaphore, #tpu.memory_space<semaphore_mem>>
        %dma_start3A_293 = tpu.memref_squeeze %dma_start3A_292 : memref<1x!tpu.dma_semaphore, #tpu.memory_space<semaphore_mem>> -> memref<!tpu.dma_semaphore, #tpu.memory_space<semaphore_mem>>
        tpu.enqueue_indirect_dma source(%dma_start3A_291 : memref<100000x64xf32, #tpu.memory_space<hbm>>) target(%dma_start3A_285 : memref<128x64xf32, #tpu.memory_space<vmem>>) offsets(%dma_start3A_288 : memref<128xi32, #tpu.memory_space<vmem>>) semaphore(%dma_start3A_293 : memref<!tpu.dma_semaphore, #tpu.memory_space<semaphore_mem>>)
      } else {
      }
    }
    %scan3A_81 = arith.constant 25 : i32
    %dma_wait3A = arith.constant 0 : i32
    %dma_wait3A_82 = arith.constant 48 : i32
    %dma_wait3A_83 = arith.constant 0 : i32
    %dma_wait3A_84 = arith.constant 0 : i32
    %dma_wait3A_85 = arith.constant 0 : i32
    %dma_wait3A_86 = arith.constant 0 : i32
    %dma_wait3A_87 = tpu.memref_slice %arg7[%dma_wait3A, %dma_wait3A_84, %dma_wait3A_85, %dma_wait3A_86] : memref<2x8x8x129xf32, #tpu.memory_space<vmem>> -> memref<1x8x8x129xf32, #tpu.memory_space<vmem>>
    %dma_wait3A_88 = tpu.memref_squeeze %dma_wait3A_87 : memref<1x8x8x129xf32, #tpu.memory_space<vmem>> -> memref<8x8x129xf32, #tpu.memory_space<vmem>>
    %dma_wait3A_89 = arith.constant 0 : i32
    %dma_wait3A_90 = arith.constant 0 : i32
    %dma_wait3A_91 = arith.constant 0 : i32
    %dma_wait3A_92 = tpu.memref_slice %dma_wait3A_88[%dma_wait3A_89, %dma_wait3A_90, %dma_wait3A_91] : memref<8x8x129xf32, #tpu.memory_space<vmem>> -> memref<8x8x128xf32, #tpu.memory_space<vmem>>
    %dma_wait3A_93 = arith.constant 0 : i32
    %dma_wait3A_94 = arith.constant 0 : i32
    %dma_wait3A_95 = arith.constant 0 : i32
    %dma_wait3A_96 = tpu.memref_slice %arg4[%dma_wait3A_82, %dma_wait3A_93, %add3A, %dma_wait3A_94, %dma_wait3A_95] : memref<50x8x32x8x128xf32, #tpu.memory_space<hbm>> -> memref<1x8x1x8x128xf32, #tpu.memory_space<hbm>>
    %dma_wait3A_97 = tpu.memref_squeeze %dma_wait3A_96 : memref<1x8x1x8x128xf32, #tpu.memory_space<hbm>> -> memref<8x8x128xf32, #tpu.memory_space<hbm>>
    %dma_wait3A_98 = tpu.memref_slice %arg9[%dma_wait3A_83] : memref<2x!tpu.dma_semaphore, #tpu.memory_space<semaphore_mem>> -> memref<1x!tpu.dma_semaphore, #tpu.memory_space<semaphore_mem>>
    %dma_wait3A_99 = tpu.memref_squeeze %dma_wait3A_98 : memref<1x!tpu.dma_semaphore, #tpu.memory_space<semaphore_mem>> -> memref<!tpu.dma_semaphore, #tpu.memory_space<semaphore_mem>>
    %dma_wait3A_100 = arith.constant 0 : i32
    %dma_wait3A_101 = arith.constant 0 : i32
    %dma_wait3A_102 = arith.constant 0 : i32
    %dma_wait3A_103 = tpu.memref_slice %arg4[%dma_wait3A_82, %dma_wait3A_100, %add3A, %dma_wait3A_101, %dma_wait3A_102] : memref<50x8x32x8x128xf32, #tpu.memory_space<hbm>> -> memref<1x8x1x8x128xf32, #tpu.memory_space<hbm>>
    %dma_wait3A_104 = tpu.memref_squeeze %dma_wait3A_103 : memref<1x8x1x8x128xf32, #tpu.memory_space<hbm>> -> memref<8x8x128xf32, #tpu.memory_space<hbm>>
    %dma_wait3A_105 = arith.constant 0 : i32
    %dma_wait3A_106 = arith.constant 0 : i32
    %dma_wait3A_107 = arith.constant 0 : i32
    %dma_wait3A_108 = tpu.memref_slice %arg7[%dma_wait3A, %dma_wait3A_105, %dma_wait3A_106, %dma_wait3A_107] : memref<2x8x8x129xf32, #tpu.memory_space<vmem>> -> memref<1x8x8x129xf32, #tpu.memory_space<vmem>>
    %dma_wait3A_109 = tpu.memref_squeeze %dma_wait3A_108 : memref<1x8x8x129xf32, #tpu.memory_space<vmem>> -> memref<8x8x129xf32, #tpu.memory_space<vmem>>
    %dma_wait3A_110 = arith.constant 0 : i32
    %dma_wait3A_111 = arith.constant 0 : i32
    %dma_wait3A_112 = arith.constant 0 : i32
    %dma_wait3A_113 = tpu.memref_slice %dma_wait3A_109[%dma_wait3A_110, %dma_wait3A_111, %dma_wait3A_112] : memref<8x8x129xf32, #tpu.memory_space<vmem>> -> memref<8x8x128xf32, #tpu.memory_space<vmem>>
    tpu.wait_dma2 semaphore(%dma_wait3A_99 : memref<!tpu.dma_semaphore, #tpu.memory_space<semaphore_mem>>) src(%dma_wait3A_113 : memref<8x8x128xf32, #tpu.memory_space<vmem>>) dst(%dma_wait3A_104 : memref<8x8x128xf32, #tpu.memory_space<hbm>>)
    %dma_wait3A_114 = arith.constant 1 : i32
    %dma_wait3A_115 = arith.constant 49 : i32
    %dma_wait3A_116 = arith.constant 1 : i32
    %dma_wait3A_117 = arith.constant 0 : i32
    %dma_wait3A_118 = arith.constant 0 : i32
    %dma_wait3A_119 = arith.constant 0 : i32
    %dma_wait3A_120 = tpu.memref_slice %arg7[%dma_wait3A_114, %dma_wait3A_117, %dma_wait3A_118, %dma_wait3A_119] : memref<2x8x8x129xf32, #tpu.memory_space<vmem>> -> memref<1x8x8x129xf32, #tpu.memory_space<vmem>>
    %dma_wait3A_121 = tpu.memref_squeeze %dma_wait3A_120 : memref<1x8x8x129xf32, #tpu.memory_space<vmem>> -> memref<8x8x129xf32, #tpu.memory_space<vmem>>
    %dma_wait3A_122 = arith.constant 0 : i32
    %dma_wait3A_123 = arith.constant 0 : i32
    %dma_wait3A_124 = arith.constant 0 : i32
    %dma_wait3A_125 = tpu.memref_slice %dma_wait3A_121[%dma_wait3A_122, %dma_wait3A_123, %dma_wait3A_124] : memref<8x8x129xf32, #tpu.memory_space<vmem>> -> memref<8x8x128xf32, #tpu.memory_space<vmem>>
    %dma_wait3A_126 = arith.constant 0 : i32
    %dma_wait3A_127 = arith.constant 0 : i32
    %dma_wait3A_128 = arith.constant 0 : i32
    %dma_wait3A_129 = tpu.memref_slice %arg4[%dma_wait3A_115, %dma_wait3A_126, %add3A, %dma_wait3A_127, %dma_wait3A_128] : memref<50x8x32x8x128xf32, #tpu.memory_space<hbm>> -> memref<1x8x1x8x128xf32, #tpu.memory_space<hbm>>
    %dma_wait3A_130 = tpu.memref_squeeze %dma_wait3A_129 : memref<1x8x1x8x128xf32, #tpu.memory_space<hbm>> -> memref<8x8x128xf32, #tpu.memory_space<hbm>>
    %dma_wait3A_131 = tpu.memref_slice %arg9[%dma_wait3A_116] : memref<2x!tpu.dma_semaphore, #tpu.memory_space<semaphore_mem>> -> memref<1x!tpu.dma_semaphore, #tpu.memory_space<semaphore_mem>>
    %dma_wait3A_132 = tpu.memref_squeeze %dma_wait3A_131 : memref<1x!tpu.dma_semaphore, #tpu.memory_space<semaphore_mem>> -> memref<!tpu.dma_semaphore, #tpu.memory_space<semaphore_mem>>
    %dma_wait3A_133 = arith.constant 0 : i32
    %dma_wait3A_134 = arith.constant 0 : i32
    %dma_wait3A_135 = arith.constant 0 : i32
    %dma_wait3A_136 = tpu.memref_slice %arg4[%dma_wait3A_115, %dma_wait3A_133, %add3A, %dma_wait3A_134, %dma_wait3A_135] : memref<50x8x32x8x128xf32, #tpu.memory_space<hbm>> -> memref<1x8x1x8x128xf32, #tpu.memory_space<hbm>>
    %dma_wait3A_137 = tpu.memref_squeeze %dma_wait3A_136 : memref<1x8x1x8x128xf32, #tpu.memory_space<hbm>> -> memref<8x8x128xf32, #tpu.memory_space<hbm>>
    %dma_wait3A_138 = arith.constant 0 : i32
    %dma_wait3A_139 = arith.constant 0 : i32
    %dma_wait3A_140 = arith.constant 0 : i32
    %dma_wait3A_141 = tpu.memref_slice %arg7[%dma_wait3A_114, %dma_wait3A_138, %dma_wait3A_139, %dma_wait3A_140] : memref<2x8x8x129xf32, #tpu.memory_space<vmem>> -> memref<1x8x8x129xf32, #tpu.memory_space<vmem>>
    %dma_wait3A_142 = tpu.memref_squeeze %dma_wait3A_141 : memref<1x8x8x129xf32, #tpu.memory_space<vmem>> -> memref<8x8x129xf32, #tpu.memory_space<vmem>>
    %dma_wait3A_143 = arith.constant 0 : i32
    %dma_wait3A_144 = arith.constant 0 : i32
    %dma_wait3A_145 = arith.constant 0 : i32
    %dma_wait3A_146 = tpu.memref_slice %dma_wait3A_142[%dma_wait3A_143, %dma_wait3A_144, %dma_wait3A_145] : memref<8x8x129xf32, #tpu.memory_space<vmem>> -> memref<8x8x128xf32, #tpu.memory_space<vmem>>
    tpu.wait_dma2 semaphore(%dma_wait3A_132 : memref<!tpu.dma_semaphore, #tpu.memory_space<semaphore_mem>>) src(%dma_wait3A_146 : memref<8x8x128xf32, #tpu.memory_space<vmem>>) dst(%dma_wait3A_137 : memref<8x8x128xf32, #tpu.memory_space<hbm>>)
    return
  }
}

</mosaic_0001>

<sc_bundles>
// kernel: kernel.3.cloned.1.call-start
scs
__scs_entry_jumppad:
0x0: {  	(pc) =	sbr.rel $0x88, $3  }
0x1: {  	(tag) =	ssettag $0x0;
	lr =	simm.s32 $0x1  }
0x2: {  	[smem:$0x3F9F] =	sst lr;
	_ =	strace $0xD0000000  }
0x3: {  	_ = 	snop  }
0x4: {  	_ = 	snop  }
0x5: {  	_ = 	snop  }
0x6: {  	_ = 	snop  }
0x7: {  	_ = 	snop  }
__scs_overlays_trampoline_lowered:
0x8: {  	[smem:$0x3FAE] =	sst s0  }
0x9: {  	[smem:$0x3FAF] =	sst s1  }
0xa: {  	[smem:$0x3FB0] =	sst s2  }
0xb: {  	[smem:$0x3FB1] =	sst s3  }
0xc: {  	[smem:$0x3FB2] =	sst s4  }
0xd: {  	[smem:$0x3FB3] =	sst s5  }
0xe: {  	[smem:$0x3FB4] =	sst s6  }
0xf: {  	[smem:$0x3FB5] =	sst s7  }
0x10: {  	[smem:$0x3FB6] =	sst s8  }
0x11: {  	[smem:$0x3FB7] =	sst s9;
	s0 =	simm.s32 @!p0 $0x0  }
0x12: {  	s1 =	sld [smem:$0x3F9D];
	s0 =	simm.s32 @p0 $0x1  }
0x13: {  	[smem:$0x3FB8] =	sst s0;
	s0 =	simm.s32 @!p1 $0x0  }
0x14: {  	s2 =	sld [smem:$0x3F9C];
	s0 =	simm.s32 @p1 $0x1  }
0x15: {  	[smem:$0x3FB9] =	sst s0;
	s0 =	simm.s32 @!p2 $0x0  }
0x16: {  	s3 =	sld [smem:$0x3FDB];
	s0 =	simm.s32 @p2 $0x1  }
0x17: {  	s4 =	simm.s32 $0x1BF5;
	[smem:$0x3FBB] =	sst s0  }
0x18: {  	s0 =	sld [smem:$0x3F9E];
	_ =	swait.ge [sflag:s4], $0x0  }
0x19: {  	s7 =	sld [smem:$0x3F9F]  }
0x1a: {  	s8 =	sadd.s32 $0xFFFFE003, lr  }
0x1b: {  	s9 =	sadd.s32 $0xFFFFFEF7, lr;
	s5 =	simm.s32 $0xFFFFFFFF;
	p2 =	slt.u32 s8, $0xFFFFF086  }
0x1c: {  	p1 =	slt.u32 s9, $0xF7A;
	s5 =	simm.s32 @!p2 $0x0  }
0x1d: {  	s5 =	simm.s32 @p1 $0x1;
	p0 =	seq.s32 s7, s2  }
0x1e: {  	s7 =	smul.u32 @!p0 $0xF7A, s2;
	p2 =	seq.s32 @!p0 s5, $0x0  }
0x1f: {  	s9 =	smul.u32 $0xF7A, s1;
	s8 =	simm.s32 @!p0 $0x1BF5;
	p2 =	por !p2, p0  }
0x20: {  	[sflag:s8] =	ssyncset.s32 @!p0 $0xFFFFF086;
	s6 =	sadd.s32 @!p0 s3, s7;
	s7 =	simm.s32 @!p0 $0x108  }
0x21: {  	s3 =	sadd.s32 s3, s9;
	s6 =	sadd.s32 @!p0 $0x88, s6;
	s7 =	simm.s32 @p2 $0x1082  }
0x22: {  	[simem:s7], [sflag:s8] =	dma.local @!p0 [hbm:s6], $0xF7A  }
0x23: {  	s9 =	sor.u32 $0xD0000000, s2;
	s6 =	simm.s32 $0x108;
	_ =	swait.ge @!p0 [sflag:s8], $0x0  }
0x24: {  	s3 =	sadd.s32 $0x88, s3;
	s6 =	simm.s32 @!p1 $0x1082;
	[sflag:s4] =	ssyncset.s32 $0xFFFFF086  }
0x25: {  	[simem:s6], [sflag:s4] =	dma.local [hbm:s3], $0xF7A  }
0x26: {  	[smem:$0x3F9F] =	sst s1;
	(tag) =	ssettag s2;
	_ =	strace s9  }
0x27: {  	s1 =	sld [smem:$0x3FAF]  }
0x28: {  	s2 =	sld [smem:$0x3FB0]  }
0x29: {  	s4 =	sld [smem:$0x3FB2]  }
0x2a: {  	p0 =	seq.s32 s5, $0x0;
	s5 =	sld [smem:$0x3FB3]  }
0x2b: {  	s6 =	sld [smem:$0x3FB4]  }
0x2c: {  	s7 =	sld [smem:$0x3FB5]  }
0x2d: {  	s3 =	simm.s32 $0x108;
	s8 =	sld [smem:$0x3FB6]  }
0x2e: {  	s3 =	simm.s32 @!p0 $0x1082;
	s9 =	sld [smem:$0x3FB7]  }
0x2f: {  	lr =	sadd.s32 s0, s3;
	s0 =	sld [smem:$0x3FAE]  }
0x30: {  	s3 =	sld [smem:$0x3FB1]  }
0x31: {  	[smem:$0x3FBA] =	sst s10  }
0x32: {  	s10 =	sld [smem:$0x3FB8];
	_ =	sdelay $0x3  }
0x33: {  	p0 =	seq.s32 s10, $0x1;
	s10 =	sld [smem:$0x3FBA];
	_ =	sdelay $0x3  }
0x34: {  	[smem:$0x3FBA] =	sst s10  }
0x35: {  	s10 =	sld [smem:$0x3FB9];
	_ =	sdelay $0x3  }
0x36: {  	p1 =	seq.s32 s10, $0x1;
	s10 =	sld [smem:$0x3FBA];
	_ =	sdelay $0x3  }
0x37: {  	[smem:$0x3FBA] =	sst s10  }
0x38: {  	s10 =	sld [smem:$0x3FBB]  }
0x39: {  	_ = 	snop;
	(pc) =	sbr.ind lr, $3  }
0x3a: {  	_ = 	snop  }
0x3b: {  	_ = 	snop  }
0x3c: {  	p2 =	seq.s32 s10, $0x1;
	s10 =	sld [smem:$0x3FBA]  }
0x3d: {  	_ =	shalt  }
0x3e: {  	_ =	shalt  }
0x3f: {  	_ =	shalt  }
0x40: {  	_ =	shalt  }
0x41: {  	_ =	shalt  }
0x42: {  	_ =	shalt  }
0x43: {  	_ =	shalt  }
0x44: {  	_ =	shalt  }
0x45: {  	_ =	shalt  }
0x46: {  	_ =	shalt  }
0x47: {  	_ =	shalt  }
0x48: {  	_ =	shalt  }
0x49: {  	_ =	shalt  }
0x4a: {  	_ =	shalt  }
0x4b: {  	_ =	shalt  }
0x4c: {  	_ =	shalt  }
0x4d: {  	_ =	shalt  }
0x4e: {  	_ =	shalt  }
0x4f: {  	_ =	shalt  }
0x50: {  	_ =	shalt  }
0x51: {  	_ =	shalt  }
0x52: {  	_ =	shalt  }
0x53: {  	_ =	shalt  }
0x54: {  	_ =	shalt  }
0x55: {  	_ =	shalt  }
0x56: {  	_ =	shalt  }
0x57: {  	_ =	shalt  }
0x58: {  	_ =	shalt  }
0x59: {  	_ =	shalt  }
0x5a: {  	_ =	shalt  }
0x5b: {  	_ =	shalt  }
0x5c: {  	_ =	shalt  }
0x5d: {  	_ =	shalt  }
0x5e: {  	_ =	shalt  }
0x5f: {  	_ =	shalt  }
0x60: {  	_ =	shalt  }
0x61: {  	_ =	shalt  }
0x62: {  	_ =	shalt  }
0x63: {  	_ =	shalt  }
0x64: {  	_ =	shalt  }
0x65: {  	_ =	shalt  }
0x66: {  	_ =	shalt  }
0x67: {  	_ =	shalt  }
0x68: {  	_ =	shalt  }
0x69: {  	_ =	shalt  }
0x6a: {  	_ =	shalt  }
0x6b: {  	_ =	shalt  }
0x6c: {  	_ =	shalt  }
0x6d: {  	_ =	shalt  }
0x6e: {  	_ =	shalt  }
0x6f: {  	_ =	shalt  }
0x70: {  	_ =	shalt  }
0x71: {  	_ =	shalt  }
0x72: {  	_ =	shalt  }
0x73: {  	_ =	shalt  }
0x74: {  	_ =	shalt  }
0x75: {  	_ =	shalt  }
0x76: {  	_ =	shalt  }
0x77: {  	_ =	shalt  }
0x78: {  	_ =	shalt  }
0x79: {  	_ =	shalt  }
0x7a: {  	_ =	shalt  }
0x7b: {  	_ =	shalt  }
0x7c: {  	_ =	shalt  }
0x7d: {  	_ =	shalt  }
0x7e: {  	_ =	shalt  }
0x7f: {  	_ =	shalt  }
0x80: {  	_ =	shalt  }
0x81: {  	_ =	shalt  }
0x82: {  	_ =	shalt  }
0x83: {  	_ =	shalt  }
0x84: {  	_ =	shalt  }
0x85: {  	_ =	shalt  }
0x86: {  	_ =	shalt  }
0x87: {  	_ =	shalt  }
.Lfunc_end0:
.L_simem_size_0:
called_computation_lowered:
.L_overlay_start_0:
0x88: {  	s2 =	sld [smem:$0x3FD9]  }
0x89: {  	s3 =	sld [smem:$0x3FFE];
	_ =	sdelay $0x1  }
0x8a: {  	s1 =	srdreg.scid  }
0x8b: {  	s0 =	sand.u32 $0x1, s1  }
0x8c: {  	s17 =	sshll.u32 s0, $0xA;
	s2 =	sadd.s32 s3, s2  }
0x8d: {  	s2 =	sadd.s32 s2, s17  }
0x8e: {  	[smem:$0x3FC6] =	sst s2  }
0x8f: {  	_ = 	snop  }
0x90: {  	s2 =	sld [smem:$0x3FD0];
	(tm) =	ssettm $0x1  }
0x91: {  	s18 =	sld [smem:$0x3FFB];
	_ =	sdelay $0x3  }
0x92: {  	_ =	strace s18  }
0x93: {  	s3 =	sld [smem:$0x3FFC];
	_ =	sdelay $0x3  }
0x94: {  	_ =	strace s3  }
0x95: {  	s3 =	sld [smem:$0x3FFD];
	_ =	sdelay $0x3  }
0x96: {  	_ =	strace s3  }
0x97: {  	_ =	strace $0x8FFFFFFF  }
0x98: {  	s19 =	sld [smem:$0x3FDB];
	_ =	sdelay $0x1  }
0x99: {  	s4 =	simm.s32 $_scs_section_size  }
0x9a: {  	s5 =	simm.s32 $_size__tile_overlayer_lowered;
	s6 =	simm.s32 $_tile_overlayer_lowered  }
0x9b: {  	s22 =	simm.s32 $0x1BFF;
	s21 =	sshll.u32 s6, $0x1;
	s3 =	sadd.s32 s4, s19  }
0x9c: {  	s7 =	simm.s32 $0x0;
	s20 =	sshll.u32 s5, $0x1;
	s5 =	sadd.s32 s21, s3  }
0x9d: {  	[timem:s7], [sflag:s22] =	dma.local [hbm:s5], s20  }
0x9e: {  	_ =	swait.ge [sflag:s22], s20  }
0x9f: {  	s4 =	ssub.s32 $0x0, s20;
	[sflag:s22] =	ssyncset.done $0x0  }
0xa0: {  	[sflag:s22] =	ssyncadd.s32 s4;
	_ =	sdelay $0x1  }
0xa1: {  	s23 =	simm.s32 $0x1B8B  }
0xa2: {  	_ =	swait.ge [sflag:s23], $0x1  }
0xa3: {  	[sflag:s23] =	ssyncset.done $0x0  }
0xa4: {  	s25 =	simm.s32 $0x1B8E;
	s24 =	sld [smem:$0x3FFE];
	[sflag:s23] =	ssyncadd.s32 $0xFFFFFFFF  }
0xa5: {  	s26 =	simm.s32 $execute0_lowered;
	[smem:$0x3FD2] =	sst s25  }
0xa6: {  	s5 =	sshll.u32 s26, $0x1;
	_ =	strace $0x80000046;
	[dreg:$0x1] =	wrdreg $0xFFFFFFFF  }
0xa7: {  	s28 =	simm.s32 $_size_execute0_lowered;
	s3 =	sadd.s32 s3, s5;
	[dreg:$0x0] =	wrdreg $0x0  }
0xa8: {  	s5 =	sshll.u32 s28, $0x1;
	[dreg:$0x2] =	wrdreg s3  }
0xa9: {  	[dreg:$0x3] =	wrdreg s5  }
0xaa: {  	[dreg:$0x4] =	wrdreg $0xC0  }
0xab: {  	_ =	task [dreg:s7], $0x5FFFF  }
0xac: {  	[dreg:$0x1] =	wrdreg $0xFFFFFFFF  }
0xad: {  	[dreg:$0x0] =	wrdreg $0x60  }
0xae: {  	[dreg:$0x2] =	wrdreg s24  }
0xaf: {  	[dreg:$0x3] =	wrdreg s2  }
0xb0: {  	[dreg:$0x4] =	wrdreg $0x9  }
0xb1: {  	_ =	task.clear_ibuf [dreg:s7], $0x5FFFF;
	_ =	strace $0x90000046  }
0xb2: {  	s29 =	simm.s32 $0x9;
	_ =	strace $0x80000048  }
0xb3: {  	_ =	swait.ge [sflag:s29], $0x1  }
0xb4: {  	[sflag:s29] =	ssyncadd.s32 $0xFFFFFFFF  }
0xb5: {  	_ =	strace $0x90000048  }
0xb6: {  	_ =	sfence  }
0xb7: {  	s30 =	sld [smem:$0x0];
	_ =	sdelay $0x2  }
0xb8: {  	s31 =	sshll.u32 s1, $0xD;
	s1 =	sshrl.u32 s1, $0x2  }
0xb9: {  	s3 =	sand.u32 $0x4000, s31;
	s1 =	sadd.s32 s1, s30  }
0xba: {  	s0 =	sor.u32 s3, s0;
	s1 =	sshll.u32 s1, $0x11  }
0xbb: {  	s0 =	sor.u32 s1, s0  }
0xbc: {  	s0 =	sadd.s32 $0x8F2B, s0  }
0xbd: {  	[sflag:s0] =	ssyncadd.remote.s32 $0x1  }
0xbe: {  	_ =	sfence.sel $0xFFFF  }
0xbf: {  	[dreg:$0x0] =	wrdreg $0xFFFFFFFF;
	(pc) =	sbr.abs _section_cstart, $3  }
0xc0: {  	[dreg:$0x1] =	wrdreg $0xFFFFFFFF  }
0xc1: {  	_ =	task.clear_ibuf [dreg:s7], $0x2FFFF;
	_ =	strace $0x9FFFFFFF  }
0xc2: {  	(tm) =	ssettm $0x7FFFFFFF  }
0xc3: {  	_ =	shalt  }
tec
execute0_lowered:
.L_overlay_start_1:
0x0: {  	(tag) =	ssettag $0x1  }
0x1: {  	s4 =	rddreg [dreg:$0x0];
	s1 =	srdreg.scid  }
0x2: {  	s0 =	stileid.u32;
	s2 =	rddreg [dreg:$0x1]  }
0x3: {  	s3 =	simm.s32 $0x0;
	s9 =	simm.s32 $0x80;
	s10 =	simm.s32 $0x1000  }
0x4: {  	s11 =	simm.s32 $0x5;
	s12 =	simm.s32 $0x1900;
	s13 =	simm.s32 $0x3900  }
0x5: {  	s14 =	simm.s32 $0x1;
	s15 =	simm.s32 $0x5900;
	s16 =	simm.s32 $0x2  }
0x6: {  	s17 =	simm.s32 $0x4;
	s18 =	simm.s32 $0x7B00;
	s19 =	simm.s32 $0x3  }
0x7: {  	s20 =	simm.s32 $0x0;
	s5 =	sand.u32 $0x1, s1;
	s1 =	rddreg [dreg:$0x2]  }
.Ltmp0:
0x8: {  	s6 =	sshll.u32 s0, $0x1;
	[smem:$0x7FF] =	sst s3;
	(pc) =	sbr.rel .LBB2_1-.Ltmp0, $4  }
0x9: {  	v0 =	vlaneseq.u32;
	s6 =	sor.u32 s5, s6;
	s5 =	ssub.s32 $0x2, s5;
	_ =	strace $0x80000047  }
0xa: {  	v0 =	vmul.u32 $0x88, v0;
	s7 =	sshll.u32 s6, $0x4;
	s8 =	sshrl.u32 s5, $0x1;
	s6 =	sshll.u32 s6, $0x7  }
0xb: {  	s7 =	sadd.s32 s7, s4;
	s4 =	sadd.s32 $0x6800, s4;
	s8 =	ssub.s32 s5, s8  }
0xc: {  	v1 =	vadd.s32 $0x880, v0;
	v2 =	vadd.s32 $0x1100, v0;
	v3 =	vadd.s32 $0x1980, v0;
	s5 =	sadd.s32 $0x400, s7;
	s7 =	sadd.s32 $0x8000, s2;
	s8 =	smax.u32 s8, $0x1  }
.LBB2_16:
0xd: {  	s20 =	sadd.s32 $0x1, s20  }
0xe: {  	_ =	swait.ge [sflag:s19], $0x2000;
	p0 =	sne.s32 s20, s8  }
.Ltmp1:
0xf: {  	[sflag:s19] =	ssyncset.done $0x0;
	(pc) =	sbr.rel @!p0 .LBB2_17-.Ltmp1, $4  }
0x10: {  	[sflag:s19] =	ssyncadd.s32 $0xFFFFE000  }
0x11: {  	_ =	swait.ge [sflag:s17], $0x2000  }
0x12: {  	[sflag:s17] =	ssyncset.done $0x0  }
0x13: {  	[sflag:s17] =	ssyncadd.s32 $0xFFFFE000  }
.LBB2_1:
0x14: {  	[tilespmem:s3], [sflag:$0x5] =	stream.strided.gather [hbm4b:s5+s9], $0x1900, s10, s9, $0x38;
	[tilespmem:$0x9D00] =	vst v63  }
0x15: {  	_ =	swait.ge [sflag:s11], $0x1900  }
0x16: {  	[sflag:s11] =	ssyncset.done $0x0  }
0x17: {  	[sflag:s11] =	ssyncadd.s32 $0xFFFFE700  }
0x18: {  	[tilespmem:s12], [sflag:$0x1] =	stream.indirect.gather [hbm4b:s4+s9], $0x40, s3, s9, $0xb8;
	[tilespmem:$0x9D00] =	vst v63  }
0x19: {  	s21 =	simm.s32 $0x0  }
0x1a: {  	[tilespmem:s13], [sflag:$0x2] =	stream.indirect.gather [hbm4b:s4+s9], $0x40, s9, s9, $0xb8;
	[tilespmem:$0x9D00] =	vst v63  }
.LBB2_2:
0x1b: {  	_ =	swait.ge [sflag:s14], $0x2000  }
0x1c: {  	p0 =	seq.s32 s21, $0x0;
	[sflag:s14] =	ssyncset.done $0x0  }
0x1d: {  	s22 =	simm.s32 @!p0 $0x3;
	[sflag:s14] =	ssyncadd.s32 $0xFFFFE000  }
0x1e: {  	_ =	swait.ge @!p0 [sflag:s22], $0x2000  }
0x1f: {  	[sflag:s22] =	ssyncset.done @!p0 $0x0  }
0x20: {  	s23 =	simm.s32 $0x1980;
	[sflag:s22] =	ssyncadd.s32 @!p0 $0xFFFFE000  }
0x21: {  	v4 =	vld [tilespmem:s23+$0x70]  }
0x22: {  	v6 =	vld [tilespmem:s23+$0x60]  }
0x23: {  	v5 =	vld [tilespmem:s23+$0x50]  }
0x24: {  	v7 =	vld [tilespmem:s23+$0x40]  }
0x25: {  	v8 =	vld [tilespmem:s23+$0x30]  }
0x26: {  	v9 =	vld [tilespmem:s23+$0x20]  }
0x27: {  	v10 =	vld [tilespmem:s23+$0x10]  }
0x28: {  	s28 =	simm.s32 $0x0;
	v11 =	vld [tilespmem:s23+$0x0]  }
0x29: {  	v13 =	vmov s28;
	v12 =	vld [tilespmem:s23+$0xFFFFFFF0]  }
0x2a: {  	v13 =	vand.u32 $0x7C, v13;
	v14 =	vld [tilespmem:s23+$0xFFFFFFE0]  }
0x2b: {  	v17 =	vadd.s32 v0, v13;
	v16 =	vld [tilespmem:s23+$0xFFFFFF80]  }
0x2c: {  	s29 =	simm.s32 $0x1;
	v19 =	vadd.s32 v1, v13;
	v18 =	vld [tilespmem:s23+$0xFFFFFF90]  }
0x2d: {  	v21 =	vmov s29;
	v22 =	vadd.s32 v2, v13;
	v20 =	vld [tilespmem:s23+$0xFFFFFFA0]  }
0x2e: {  	v21 =	vand.u32 $0x7D, v21;
	v13 =	vadd.s32 v3, v13;
	v23 =	vld [tilespmem:s23+$0xFFFFFFB0]  }
0x2f: {  	v25 =	vadd.s32 v0, v21;
	v24 =	vld [tilespmem:s23+$0xFFFFFFC0]  }
0x30: {  	s30 =	simm.s32 $0x2;
	v51 =	vadd.s32 v1, v21;
	v15 =	vld [tilespmem:s23+$0xFFFFFFD0];
	[tilespmem:v17+s15+$0x0] =	vst.idx.msk $0xffff, v16  }
0x31: {  	v52 =	vmov s30;
	v53 =	vadd.s32 v2, v21;
	[tilespmem:v19+s15+$0x0] =	vst.idx.msk $0xffff, v18  }
0x32: {  	v54 =	vadd.s32 v3, v21;
	v17 =	vand.u32 $0x7E, v52;
	[tilespmem:v22+s15+$0x0] =	vst.idx.msk $0xffff, v20  }
0x33: {  	v55 =	vadd.s32 v0, v17;
	[tilespmem:v13+s15+$0x0] =	vst.idx.msk $0xffff, v23  }
0x34: {  	s31 =	simm.s32 $0x3;
	v56 =	vadd.s32 v1, v17;
	[tilespmem:v25+s15+$0x0] =	vst.idx.msk $0xffff, v24  }
0x35: {  	v57 =	vmov s31;
	v58 =	vadd.s32 v2, v17;
	[tilespmem:v51+s15+$0x0] =	vst.idx.msk $0xffff, v15  }
0x36: {  	v60 =	vand.u32 $0x7F, v57;
	v59 =	vadd.s32 v3, v17;
	[tilespmem:v53+s15+$0x0] =	vst.idx.msk $0xffff, v14  }
0x37: {  	v61 =	vadd.s32 v0, v60;
	[tilespmem:v54+s15+$0x0] =	vst.idx.msk $0xffff, v12  }
0x38: {  	v62 =	vadd.s32 v1, v60;
	[tilespmem:v55+s15+$0x0] =	vst.idx.msk $0xffff, v11  }
0x39: {  	[tilespmem:v56+s15+$0x0] =	vst.idx.msk $0xffff, v10  }
0x3a: {  	[tilespmem:v58+s15+$0x0] =	vst.idx.msk $0xffff, v9  }
0x3b: {  	v63 =	vadd.s32 v2, v60;
	[tilespmem:v59+s15+$0x0] =	vst.idx.msk $0xffff, v8  }
0x3c: {  	[tilespmem:v61+s15+$0x0] =	vst.idx.msk $0xffff, v7  }
0x3d: {  	[tilespmem:v62+s15+$0x0] =	vst.idx.msk $0xffff, v5;
	v5 =	vadd.s32 v3, v60;
	_ =	sdelay $0x2  }
0x3e: {  	s24 =	simm.s32 $0x4;
	s22 =	sshll.u32 s21, $0xA;
	[tilespmem:v63+s15+$0x0] =	vst.idx.msk $0xffff, v6  }
.LBB2_3:
0x3f: {  	p1 =	sne.s32 s24, $0x7C  }
0x40: {  	[tilespmem:v5+s15+$0x0] =	vst.idx.msk $0xffff, v4;
	s23 =	sadd.s32 $0x100, s23;
	s25 =	smov.u32 s24;
	s24 =	sadd.s32 $0x4, s24  }
0x41: {  	v4 =	vld [tilespmem:s23+$0x70]  }
0x42: {  	v6 =	vld [tilespmem:s23+$0x60]  }
0x43: {  	v7 =	vld [tilespmem:s23+$0x50]  }
0x44: {  	v8 =	vld [tilespmem:s23+$0x40]  }
0x45: {  	v9 =	vld [tilespmem:s23+$0x30]  }
0x46: {  	v5 =	vld [tilespmem:s23+$0x20]  }
0x47: {  	v10 =	vld [tilespmem:s23+$0x10]  }
0x48: {  	v11 =	vld [tilespmem:s23+$0x0]  }
0x49: {  	v12 =	vld [tilespmem:s23+$0xFFFFFFF0]  }
0x4a: {  	v13 =	vmov s25;
	v14 =	vld [tilespmem:s23+$0xFFFFFFE0]  }
0x4b: {  	v13 =	vand.u32 $0x7C, v13;
	v15 =	vld [tilespmem:s23+$0xFFFFFFD0]  }
0x4c: {  	v17 =	vadd.s32 v0, v13;
	v16 =	vld [tilespmem:s23+$0xFFFFFF80]  }
0x4d: {  	s26 =	sadd.s32 $0x1, s25;
	v19 =	vadd.s32 v1, v13;
	v18 =	vld [tilespmem:s23+$0xFFFFFF90]  }
0x4e: {  	v21 =	vmov s26;
	v22 =	vadd.s32 v2, v13;
	v20 =	vld [tilespmem:s23+$0xFFFFFFA0]  }
0x4f: {  	v13 =	vadd.s32 v3, v13;
	v21 =	vand.u32 $0x7D, v21;
	v23 =	vld [tilespmem:s23+$0xFFFFFFB0]  }
0x50: {  	v25 =	vadd.s32 v0, v21;
	v24 =	vld [tilespmem:s23+$0xFFFFFFC0]  }
0x51: {  	s26 =	sadd.s32 $0x2, s25;
	[tilespmem:v17+s15+$0x0] =	vst.idx.msk $0xffff, v16;
	v16 =	vadd.s32 v1, v21  }
0x52: {  	v17 =	vmov s26;
	[tilespmem:v19+s15+$0x0] =	vst.idx.msk $0xffff, v18;
	v18 =	vadd.s32 v2, v21  }
0x53: {  	v19 =	vadd.s32 v3, v21;
	v17 =	vand.u32 $0x7E, v17;
	[tilespmem:v22+s15+$0x0] =	vst.idx.msk $0xffff, v20  }
0x54: {  	[tilespmem:v13+s15+$0x0] =	vst.idx.msk $0xffff, v23;
	v13 =	vadd.s32 v0, v17  }
0x55: {  	s25 =	sadd.s32 $0x3, s25;
	v20 =	vadd.s32 v1, v17;
	[tilespmem:v25+s15+$0x0] =	vst.idx.msk $0xffff, v24  }
0x56: {  	v21 =	vmov s25;
	[tilespmem:v16+s15+$0x0] =	vst.idx.msk $0xffff, v15;
	v15 =	vadd.s32 v2, v17  }
0x57: {  	v16 =	vand.u32 $0x7F, v21;
	[tilespmem:v18+s15+$0x0] =	vst.idx.msk $0xffff, v14;
	v14 =	vadd.s32 v3, v17  }
0x58: {  	[tilespmem:v19+s15+$0x0] =	vst.idx.msk $0xffff, v12;
	v12 =	vadd.s32 v0, v16  }
0x59: {  	[tilespmem:v13+s15+$0x0] =	vst.idx.msk $0xffff, v11;
	v11 =	vadd.s32 v1, v16  }
0x5a: {  	[tilespmem:v20+s15+$0x0] =	vst.idx.msk $0xffff, v10;
	v10 =	vadd.s32 v2, v16  }
.Ltmp2:
0x5b: {  	[tilespmem:v15+s15+$0x0] =	vst.idx.msk $0xffff, v5;
	v5 =	vadd.s32 v3, v16;
	(pc) =	sbr.rel @p1 .LBB2_3-.Ltmp2, $4  }
0x5c: {  	[tilespmem:v14+s15+$0x0] =	vst.idx.msk $0xffff, v9  }
0x5d: {  	[tilespmem:v12+s15+$0x0] =	vst.idx.msk $0xffff, v8  }
0x5e: {  	[tilespmem:v11+s15+$0x0] =	vst.idx.msk $0xffff, v7  }
0x5f: {  	[tilespmem:v10+s15+$0x0] =	vst.idx.msk $0xffff, v6  }
0x60: {  	_ =	sdelay $0x1  }
0x61: {  	s23 =	sshll.u32 s21, $0x10  }
0x62: {  	s23 =	sor.u32 s6, s23  }
0x63: {  	[tilespmem:v5+s15+$0x0] =	vst.idx.msk $0xffff, v4;
	s24 =	simm.s32 $0x5900;
	s25 =	sadd.s32 s2, s23  }
0x64: {  	[hbm4b:s25+s3] =	stream.linear.scatter [tilespmem:s24], [sflag:$0x3], $0x80, $0x38;
	[tilespmem:$0x9D00] =	vst v63  }
0x65: {  	s31 =	simm.s32 $0x5988;
	s26 =	sadd.s32 $0x10, s25  }
0x66: {  	[hbm4b:s26+s3] =	stream.linear.scatter [tilespmem:s31], [sflag:$0x3], $0x80, $0x38;
	[tilespmem:$0x9D00] =	vst v63  }
0x67: {  	s30 =	simm.s32 $0x5A10;
	s28 =	simm.s32 $0x5CB8;
	s31 =	sadd.s32 $0x20, s25  }
0x68: {  	[hbm4b:s31+s3] =	stream.linear.scatter [tilespmem:s30], [sflag:$0x3], $0x80, $0x38;
	[tilespmem:$0x9D00] =	vst v63  }
0x69: {  	s24 =	simm.s32 $0x440;
	s30 =	simm.s32 $0x5A98;
	s31 =	sadd.s32 $0x30, s25  }
0x6a: {  	[hbm4b:s31+s3] =	stream.linear.scatter [tilespmem:s30], [sflag:$0x3], $0x80, $0x38;
	[tilespmem:$0x9D00] =	vst v63  }
0x6b: {  	s29 =	sadd.s32 $0x70, s25;
	s30 =	simm.s32 $0x5B20;
	s31 =	sadd.s32 $0x40, s25  }
0x6c: {  	[hbm4b:s31+s3] =	stream.linear.scatter [tilespmem:s30], [sflag:$0x3], $0x80, $0x38;
	[tilespmem:$0x9D00] =	vst v63  }
0x6d: {  	s26 =	simm.s32 $0x2200;
	s30 =	simm.s32 $0x5BA8;
	s31 =	sadd.s32 $0x50, s25  }
0x6e: {  	[hbm4b:s31+s3] =	stream.linear.scatter [tilespmem:s30], [sflag:$0x3], $0x80, $0x38;
	[tilespmem:$0x9D00] =	vst v63  }
0x6f: {  	s30 =	simm.s32 $0x5C30;
	s31 =	sadd.s32 $0x60, s25;
	s25 =	sadd.s32 $0x1000, s25  }
0x70: {  	[hbm4b:s31+s3] =	stream.linear.scatter [tilespmem:s30], [sflag:$0x3], $0x80, $0x38;
	[tilespmem:$0x9D00] =	vst v63  }
.LBB2_5:
0x71: {  	[hbm4b:s29+s3] =	stream.linear.scatter [tilespmem:s28], [sflag:$0x3], $0x80, $0x38;
	[tilespmem:$0x9D00] =	vst v63  }
0x72: {  	s28 =	smov.u32 s24;
	s24 =	smov.u32 s26  }
0x73: {  	s30 =	sadd.s32 $0x1100, s26;
	s24 =	sshra.s32 s24, $0x2;
	s29 =	sadd.s32 $0x5900, s28  }
0x74: {  	[hbm4b:s25+s3] =	stream.linear.scatter [tilespmem:s29], [sflag:$0x3], $0x80, $0x38;
	[tilespmem:$0x9D00] =	vst v63  }
0x75: {  	p1 =	sne.s32 s26, $0x7700;
	s26 =	sadd.s32 $0x5988, s28;
	s29 =	sadd.s32 $0x10, s25  }
0x76: {  	[hbm4b:s29+s3] =	stream.linear.scatter [tilespmem:s26], [sflag:$0x3], $0x80, $0x38;
	[tilespmem:$0x9D00] =	vst v63  }
0x77: {  	s26 =	sadd.s32 $0x5A10, s28;
	s29 =	sadd.s32 $0x20, s25  }
0x78: {  	[hbm4b:s29+s3] =	stream.linear.scatter [tilespmem:s26], [sflag:$0x3], $0x80, $0x38;
	[tilespmem:$0x9D00] =	vst v63  }
0x79: {  	s26 =	sadd.s32 $0x5A98, s28;
	s29 =	sadd.s32 $0x30, s25  }
0x7a: {  	[hbm4b:s29+s3] =	stream.linear.scatter [tilespmem:s26], [sflag:$0x3], $0x80, $0x38;
	[tilespmem:$0x9D00] =	vst v63  }
0x7b: {  	s26 =	sadd.s32 $0x5B20, s28;
	s29 =	sadd.s32 $0x40, s25  }
0x7c: {  	[hbm4b:s29+s3] =	stream.linear.scatter [tilespmem:s26], [sflag:$0x3], $0x80, $0x38;
	[tilespmem:$0x9D00] =	vst v63  }
.Ltmp3:
0x7d: {  	s26 =	sadd.s32 $0x5BA8, s28;
	s29 =	sadd.s32 $0x50, s25;
	(pc) =	sbr.rel @p1 .LBB2_5-.Ltmp3, $4  }
0x7e: {  	[hbm4b:s29+s3] =	stream.linear.scatter [tilespmem:s26], [sflag:$0x3], $0x80, $0x38;
	[tilespmem:$0x9D00] =	vst v63  }
0x7f: {  	s26 =	sadd.s32 $0x5C30, s28;
	s29 =	sadd.s32 $0x60, s25;
	s28 =	sadd.s32 $0x5CB8, s28  }
0x80: {  	[hbm4b:s29+s3] =	stream.linear.scatter [tilespmem:s26], [sflag:$0x3], $0x80, $0x38;
	[tilespmem:$0x9D00] =	vst v63  }
0x81: {  	s29 =	sadd.s32 $0x70, s25;
	s25 =	sadd.s32 $0x1000, s25;
	s26 =	smov.u32 s30  }
0x82: {  	[hbm4b:s29+s3] =	stream.linear.scatter [tilespmem:s28], [sflag:$0x3], $0x80, $0x38;
	[tilespmem:$0x9D00] =	vst v63  }
0x83: {  	s26 =	sadd.s32 $0x5900, s24  }
0x84: {  	[hbm4b:s25+s3] =	stream.linear.scatter [tilespmem:s26], [sflag:$0x3], $0x80, $0x38;
	[tilespmem:$0x9D00] =	vst v63  }
0x85: {  	s30 =	sadd.s32 $0x5988, s24;
	s31 =	sadd.s32 $0x10, s25  }
0x86: {  	[hbm4b:s31+s3] =	stream.linear.scatter [tilespmem:s30], [sflag:$0x3], $0x80, $0x38;
	[tilespmem:$0x9D00] =	vst v63  }
0x87: {  	s29 =	sadd.s32 $0x5A10, s24;
	s30 =	sadd.s32 $0x20, s25  }
0x88: {  	[hbm4b:s30+s3] =	stream.linear.scatter [tilespmem:s29], [sflag:$0x3], $0x80, $0x38;
	[tilespmem:$0x9D00] =	vst v63  }
0x89: {  	s31 =	sadd.s32 $0x5A98, s24;
	s29 =	sadd.s32 $0x30, s25  }
0x8a: {  	[hbm4b:s29+s3] =	stream.linear.scatter [tilespmem:s31], [sflag:$0x3], $0x80, $0x38;
	[tilespmem:$0x9D00] =	vst v63  }
0x8b: {  	s30 =	sadd.s32 $0x5B20, s24;
	s31 =	sadd.s32 $0x40, s25  }
0x8c: {  	[hbm4b:s31+s3] =	stream.linear.scatter [tilespmem:s30], [sflag:$0x3], $0x80, $0x38;
	[tilespmem:$0x9D00] =	vst v63  }
0x8d: {  	p1 =	sne.s32 s21, $0x18;
	s29 =	sadd.s32 $0x5BA8, s24;
	s30 =	sadd.s32 $0x50, s25  }
0x8e: {  	[hbm4b:s30+s3] =	stream.linear.scatter [tilespmem:s29], [sflag:$0x3], $0x80, $0x38;
	[tilespmem:$0x9D00] =	vst v63  }
.Ltmp4:
0x8f: {  	_ = 	snop;
	(pc) =	sbr.rel @p1 .LBB2_8-.Ltmp4, $4  }
0x90: {  	s31 =	sadd.s32 $0x5C30, s24;
	s29 =	sadd.s32 $0x60, s25  }
0x91: {  	[hbm4b:s29+s3] =	stream.linear.scatter [tilespmem:s31], [sflag:$0x3], $0x80, $0x38;
	[tilespmem:$0x9D00] =	vst v63  }
0x92: {  	s30 =	sadd.s32 $0x5CB8, s24;
	s31 =	sadd.s32 $0x70, s25  }
0x93: {  	[hbm4b:s31+s3] =	stream.linear.scatter [tilespmem:s30], [sflag:$0x3], $0x80, $0x38;
	[tilespmem:$0x9D00] =	vst v63  }
.Ltmp5:
0x94: {  	(pc) =	sbr.rel .LBB2_9-.Ltmp5, $4  }
0x95: {  	_ = 	snop  }
0x96: {  	_ =	swait.ge [sflag:s16], $0x2000  }
0x97: {  	[sflag:s16] =	ssyncset.done $0x0  }
0x98: {  	[sflag:s16] =	ssyncadd.s32 $0xFFFFE000  }
.LBB2_8:
0x99: {  	s24 =	sshrl.u32 s22, $0x2  }
.Ltmp6:
0x9a: {  	s24 =	sadd.s32 $0x100, s24;
	(pc) =	sbr.rel @p0 .LBB2_10-.Ltmp6, $4  }
0x9b: {  	[tilespmem:s12], [sflag:$0x1] =	stream.indirect.gather [hbm4b:s4+s9], $0x40, s24, s9, $0xb8;
	[tilespmem:$0x9D00] =	vst v63  }
0x9c: {  	_ =	swait.ge [sflag:s16], $0x2000  }
0x9d: {  	[sflag:s16] =	ssyncset.done $0x0  }
0x9e: {  	[sflag:s16] =	ssyncadd.s32 $0xFFFFE000  }
.LBB2_9:
0x9f: {  	_ =	swait.ge [sflag:s17], $0x2000  }
0xa0: {  	[sflag:s17] =	ssyncset.done $0x0  }
0xa1: {  	[sflag:s17] =	ssyncadd.s32 $0xFFFFE000  }
.LBB2_10:
0xa2: {  	s24 =	simm.s32 $0x39F0  }
0xa3: {  	v4 =	vld [tilespmem:s24+$0x0]  }
0xa4: {  	v6 =	vld [tilespmem:s24+$0xFFFFFFF0]  }
0xa5: {  	v5 =	vld [tilespmem:s24+$0xFFFFFFE0]  }
0xa6: {  	v7 =	vld [tilespmem:s24+$0xFFFFFFD0]  }
0xa7: {  	v8 =	vld [tilespmem:s24+$0xFFFFFFC0]  }
0xa8: {  	v9 =	vld [tilespmem:s24+$0xFFFFFFB0]  }
0xa9: {  	v10 =	vld [tilespmem:s24+$0xFFFFFFA0]  }
0xaa: {  	s25 =	simm.s32 $0x0;
	v11 =	vld [tilespmem:s24+$0xFFFFFF90]  }
0xab: {  	v12 =	vld [tilespmem:s24+$0xFFFFFF80];
	v13 =	vmov s25  }
0xac: {  	v14 =	vld [tilespmem:s24+$0xFFFFFF70];
	v13 =	vand.u32 $0x7C, v13  }
0xad: {  	v16 =	vld [tilespmem:s24+$0xFFFFFF10];
	v17 =	vadd.s32 v0, v13  }
0xae: {  	s29 =	simm.s32 $0x1;
	v18 =	vld [tilespmem:s24+$0xFFFFFF20];
	v19 =	vadd.s32 v1, v13  }
0xaf: {  	v20 =	vld [tilespmem:s24+$0xFFFFFF30];
	v21 =	vmov s29;
	v22 =	vadd.s32 v2, v13  }
0xb0: {  	v23 =	vld [tilespmem:s24+$0xFFFFFF40];
	v21 =	vand.u32 $0x7D, v21;
	v13 =	vadd.s32 v3, v13  }
0xb1: {  	v24 =	vld [tilespmem:s24+$0xFFFFFF50];
	v25 =	vadd.s32 v0, v21  }
0xb2: {  	s30 =	simm.s32 $0x2;
	v15 =	vld [tilespmem:s24+$0xFFFFFF60];
	v51 =	vadd.s32 v1, v21;
	[tilespmem:v17+s18+$0x0] =	vst.idx.msk $0xffff, v16  }
0xb3: {  	v52 =	vmov s30;
	v53 =	vadd.s32 v2, v21;
	[tilespmem:v19+s18+$0x0] =	vst.idx.msk $0xffff, v18  }
0xb4: {  	v54 =	vadd.s32 v3, v21;
	v17 =	vand.u32 $0x7E, v52;
	[tilespmem:v22+s18+$0x0] =	vst.idx.msk $0xffff, v20  }
0xb5: {  	v55 =	vadd.s32 v0, v17;
	[tilespmem:v13+s18+$0x0] =	vst.idx.msk $0xffff, v23  }
0xb6: {  	s31 =	simm.s32 $0x3;
	v56 =	vadd.s32 v1, v17;
	[tilespmem:v25+s18+$0x0] =	vst.idx.msk $0xffff, v24  }
0xb7: {  	v57 =	vmov s31;
	v58 =	vadd.s32 v2, v17;
	[tilespmem:v51+s18+$0x0] =	vst.idx.msk $0xffff, v15  }
0xb8: {  	v60 =	vand.u32 $0x7F, v57;
	v59 =	vadd.s32 v3, v17;
	[tilespmem:v53+s18+$0x0] =	vst.idx.msk $0xffff, v14  }
0xb9: {  	v61 =	vadd.s32 v0, v60;
	[tilespmem:v54+s18+$0x0] =	vst.idx.msk $0xffff, v12  }
0xba: {  	v62 =	vadd.s32 v1, v60;
	[tilespmem:v55+s18+$0x0] =	vst.idx.msk $0xffff, v11  }
0xbb: {  	[tilespmem:v56+s18+$0x0] =	vst.idx.msk $0xffff, v10  }
0xbc: {  	[tilespmem:v58+s18+$0x0] =	vst.idx.msk $0xffff, v9  }
0xbd: {  	v63 =	vadd.s32 v2, v60;
	[tilespmem:v59+s18+$0x0] =	vst.idx.msk $0xffff, v8  }
0xbe: {  	[tilespmem:v61+s18+$0x0] =	vst.idx.msk $0xffff, v7  }
0xbf: {  	[tilespmem:v62+s18+$0x0] =	vst.idx.msk $0xffff, v5;
	v5 =	vadd.s32 v3, v60;
	_ =	sdelay $0x2  }
0xc0: {  	s25 =	simm.s32 $0x4;
	[tilespmem:v63+s18+$0x0] =	vst.idx.msk $0xffff, v6  }
.LBB2_11:
0xc1: {  	p0 =	sne.s32 s25, $0x7C  }
0xc2: {  	[tilespmem:v5+s18+$0x0] =	vst.idx.msk $0xffff, v4;
	s24 =	sadd.s32 $0x100, s24;
	s26 =	smov.u32 s25;
	s25 =	sadd.s32 $0x4, s25  }
0xc3: {  	v4 =	vld [tilespmem:s24+$0x0]  }
0xc4: {  	v6 =	vld [tilespmem:s24+$0xFFFFFFF0]  }
0xc5: {  	v7 =	vld [tilespmem:s24+$0xFFFFFFE0]  }
0xc6: {  	v8 =	vld [tilespmem:s24+$0xFFFFFFD0]  }
0xc7: {  	v9 =	vld [tilespmem:s24+$0xFFFFFFC0]  }
0xc8: {  	v5 =	vld [tilespmem:s24+$0xFFFFFFB0]  }
0xc9: {  	v10 =	vld [tilespmem:s24+$0xFFFFFFA0]  }
0xca: {  	v11 =	vld [tilespmem:s24+$0xFFFFFF90]  }
0xcb: {  	v12 =	vld [tilespmem:s24+$0xFFFFFF80]  }
0xcc: {  	v13 =	vmov s26;
	v14 =	vld [tilespmem:s24+$0xFFFFFF70]  }
0xcd: {  	v13 =	vand.u32 $0x7C, v13;
	v15 =	vld [tilespmem:s24+$0xFFFFFF60]  }
0xce: {  	v17 =	vadd.s32 v0, v13;
	v16 =	vld [tilespmem:s24+$0xFFFFFF10]  }
0xcf: {  	s28 =	sadd.s32 $0x1, s26;
	v19 =	vadd.s32 v1, v13;
	v18 =	vld [tilespmem:s24+$0xFFFFFF20]  }
0xd0: {  	v21 =	vmov s28;
	v22 =	vadd.s32 v2, v13;
	v20 =	vld [tilespmem:s24+$0xFFFFFF30]  }
0xd1: {  	v13 =	vadd.s32 v3, v13;
	v21 =	vand.u32 $0x7D, v21;
	v23 =	vld [tilespmem:s24+$0xFFFFFF40]  }
0xd2: {  	v25 =	vadd.s32 v0, v21;
	v24 =	vld [tilespmem:s24+$0xFFFFFF50]  }
0xd3: {  	s28 =	sadd.s32 $0x2, s26;
	[tilespmem:v17+s18+$0x0] =	vst.idx.msk $0xffff, v16;
	v16 =	vadd.s32 v1, v21  }
0xd4: {  	v17 =	vmov s28;
	[tilespmem:v19+s18+$0x0] =	vst.idx.msk $0xffff, v18;
	v18 =	vadd.s32 v2, v21  }
0xd5: {  	v19 =	vadd.s32 v3, v21;
	v17 =	vand.u32 $0x7E, v17;
	[tilespmem:v22+s18+$0x0] =	vst.idx.msk $0xffff, v20  }
0xd6: {  	[tilespmem:v13+s18+$0x0] =	vst.idx.msk $0xffff, v23;
	v13 =	vadd.s32 v0, v17  }
0xd7: {  	s26 =	sadd.s32 $0x3, s26;
	v20 =	vadd.s32 v1, v17;
	[tilespmem:v25+s18+$0x0] =	vst.idx.msk $0xffff, v24  }
0xd8: {  	v21 =	vmov s26;
	[tilespmem:v16+s18+$0x0] =	vst.idx.msk $0xffff, v15;
	v15 =	vadd.s32 v2, v17  }
0xd9: {  	v16 =	vand.u32 $0x7F, v21;
	[tilespmem:v18+s18+$0x0] =	vst.idx.msk $0xffff, v14;
	v14 =	vadd.s32 v3, v17  }
0xda: {  	[tilespmem:v19+s18+$0x0] =	vst.idx.msk $0xffff, v12;
	v12 =	vadd.s32 v0, v16  }
0xdb: {  	[tilespmem:v13+s18+$0x0] =	vst.idx.msk $0xffff, v11;
	v11 =	vadd.s32 v1, v16  }
0xdc: {  	[tilespmem:v20+s18+$0x0] =	vst.idx.msk $0xffff, v10;
	v10 =	vadd.s32 v2, v16  }
.Ltmp7:
0xdd: {  	[tilespmem:v15+s18+$0x0] =	vst.idx.msk $0xffff, v5;
	v5 =	vadd.s32 v3, v16;
	(pc) =	sbr.rel @p0 .LBB2_11-.Ltmp7, $4  }
0xde: {  	[tilespmem:v14+s18+$0x0] =	vst.idx.msk $0xffff, v9  }
0xdf: {  	[tilespmem:v12+s18+$0x0] =	vst.idx.msk $0xffff, v8  }
0xe0: {  	[tilespmem:v11+s18+$0x0] =	vst.idx.msk $0xffff, v7  }
0xe1: {  	[tilespmem:v10+s18+$0x0] =	vst.idx.msk $0xffff, v6  }
0xe2: {  	_ =	sdelay $0x3  }
0xe3: {  	[tilespmem:v5+s18+$0x0] =	vst.idx.msk $0xffff, v4;
	s24 =	sadd.s32 s23, s7;
	s26 =	simm.s32 $0x7B00  }
0xe4: {  	[hbm4b:s24+s3] =	stream.linear.scatter [tilespmem:s26], [sflag:$0x4], $0x80, $0x38;
	[tilespmem:$0x9D00] =	vst v63  }
0xe5: {  	s29 =	simm.s32 $0x7B88;
	s25 =	sadd.s32 $0x10, s24  }
0xe6: {  	[hbm4b:s25+s3] =	stream.linear.scatter [tilespmem:s29], [sflag:$0x4], $0x80, $0x38;
	[tilespmem:$0x9D00] =	vst v63  }
0xe7: {  	s30 =	simm.s32 $0x7C10;
	s23 =	simm.s32 $0x440;
	s31 =	sadd.s32 $0x20, s24  }
0xe8: {  	[hbm4b:s31+s3] =	stream.linear.scatter [tilespmem:s30], [sflag:$0x4], $0x80, $0x38;
	[tilespmem:$0x9D00] =	vst v63  }
0xe9: {  	s26 =	simm.s32 $0x7C98;
	s28 =	sadd.s32 $0x70, s24;
	s29 =	sadd.s32 $0x30, s24  }
0xea: {  	[hbm4b:s29+s3] =	stream.linear.scatter [tilespmem:s26], [sflag:$0x4], $0x80, $0x38;
	[tilespmem:$0x9D00] =	vst v63  }
0xeb: {  	s25 =	simm.s32 $0x2200;
	s30 =	simm.s32 $0x7D20;
	s31 =	sadd.s32 $0x40, s24  }
0xec: {  	[hbm4b:s31+s3] =	stream.linear.scatter [tilespmem:s30], [sflag:$0x4], $0x80, $0x38;
	[tilespmem:$0x9D00] =	vst v63  }
0xed: {  	s26 =	simm.s32 $0x7DA8;
	s29 =	sadd.s32 $0x50, s24;
	s30 =	simm.s32 $0x7E30  }
0xee: {  	[hbm4b:s29+s3] =	stream.linear.scatter [tilespmem:s26], [sflag:$0x4], $0x80, $0x38;
	[tilespmem:$0x9D00] =	vst v63  }
0xef: {  	s31 =	sadd.s32 $0x60, s24;
	s24 =	sadd.s32 $0x1000, s24;
	s26 =	simm.s32 $0x7EB8  }
0xf0: {  	[hbm4b:s31+s3] =	stream.linear.scatter [tilespmem:s30], [sflag:$0x4], $0x80, $0x38;
	[tilespmem:$0x9D00] =	vst v63  }
.LBB2_13:
0xf1: {  	[hbm4b:s28+s3] =	stream.linear.scatter [tilespmem:s26], [sflag:$0x4], $0x80, $0x38;
	[tilespmem:$0x9D00] =	vst v63  }
0xf2: {  	s26 =	smov.u32 s23;
	s23 =	smov.u32 s25  }
0xf3: {  	s29 =	sadd.s32 $0x1100, s25;
	s23 =	sshra.s32 s23, $0x2;
	s28 =	sadd.s32 $0x7B00, s26  }
0xf4: {  	[hbm4b:s24+s3] =	stream.linear.scatter [tilespmem:s28], [sflag:$0x4], $0x80, $0x38;
	[tilespmem:$0x9D00] =	vst v63  }
0xf5: {  	p0 =	sne.s32 s25, $0x7700;
	s25 =	sadd.s32 $0x7B88, s26;
	s28 =	sadd.s32 $0x10, s24  }
0xf6: {  	[hbm4b:s28+s3] =	stream.linear.scatter [tilespmem:s25], [sflag:$0x4], $0x80, $0x38;
	[tilespmem:$0x9D00] =	vst v63  }
0xf7: {  	s25 =	sadd.s32 $0x7C10, s26;
	s28 =	sadd.s32 $0x20, s24  }
0xf8: {  	[hbm4b:s28+s3] =	stream.linear.scatter [tilespmem:s25], [sflag:$0x4], $0x80, $0x38;
	[tilespmem:$0x9D00] =	vst v63  }
0xf9: {  	s25 =	sadd.s32 $0x7C98, s26;
	s28 =	sadd.s32 $0x30, s24  }
0xfa: {  	[hbm4b:s28+s3] =	stream.linear.scatter [tilespmem:s25], [sflag:$0x4], $0x80, $0x38;
	[tilespmem:$0x9D00] =	vst v63  }
0xfb: {  	s25 =	sadd.s32 $0x7D20, s26;
	s28 =	sadd.s32 $0x40, s24  }
0xfc: {  	[hbm4b:s28+s3] =	stream.linear.scatter [tilespmem:s25], [sflag:$0x4], $0x80, $0x38;
	[tilespmem:$0x9D00] =	vst v63  }
.Ltmp8:
0xfd: {  	s25 =	sadd.s32 $0x7DA8, s26;
	s28 =	sadd.s32 $0x50, s24;
	(pc) =	sbr.rel @p0 .LBB2_13-.Ltmp8, $4  }
0xfe: {  	[hbm4b:s28+s3] =	stream.linear.scatter [tilespmem:s25], [sflag:$0x4], $0x80, $0x38;
	[tilespmem:$0x9D00] =	vst v63  }
0xff: {  	s25 =	sadd.s32 $0x7E30, s26;
	s28 =	sadd.s32 $0x60, s24;
	s26 =	sadd.s32 $0x7EB8, s26  }
0x100: {  	[hbm4b:s28+s3] =	stream.linear.scatter [tilespmem:s25], [sflag:$0x4], $0x80, $0x38;
	[tilespmem:$0x9D00] =	vst v63  }
0x101: {  	s28 =	sadd.s32 $0x70, s24;
	s24 =	sadd.s32 $0x1000, s24;
	s25 =	smov.u32 s29  }
0x102: {  	[hbm4b:s28+s3] =	stream.linear.scatter [tilespmem:s26], [sflag:$0x4], $0x80, $0x38;
	[tilespmem:$0x9D00] =	vst v63  }
0x103: {  	s25 =	sadd.s32 $0x7B00, s23  }
0x104: {  	[hbm4b:s24+s3] =	stream.linear.scatter [tilespmem:s25], [sflag:$0x4], $0x80, $0x38;
	[tilespmem:$0x9D00] =	vst v63  }
0x105: {  	s30 =	sadd.s32 $0x7B88, s23;
	s31 =	sadd.s32 $0x10, s24  }
0x106: {  	[hbm4b:s31+s3] =	stream.linear.scatter [tilespmem:s30], [sflag:$0x4], $0x80, $0x38;
	[tilespmem:$0x9D00] =	vst v63  }
0x107: {  	s28 =	sadd.s32 $0x7C10, s23;
	s29 =	sadd.s32 $0x20, s24  }
0x108: {  	[hbm4b:s29+s3] =	stream.linear.scatter [tilespmem:s28], [sflag:$0x4], $0x80, $0x38;
	[tilespmem:$0x9D00] =	vst v63  }
0x109: {  	s30 =	sadd.s32 $0x7C98, s23;
	s31 =	sadd.s32 $0x30, s24  }
0x10a: {  	[hbm4b:s31+s3] =	stream.linear.scatter [tilespmem:s30], [sflag:$0x4], $0x80, $0x38;
	[tilespmem:$0x9D00] =	vst v63  }
0x10b: {  	s28 =	sadd.s32 $0x7D20, s23;
	s29 =	sadd.s32 $0x40, s24  }
0x10c: {  	[hbm4b:s29+s3] =	stream.linear.scatter [tilespmem:s28], [sflag:$0x4], $0x80, $0x38;
	[tilespmem:$0x9D00] =	vst v63  }
0x10d: {  	p0 =	seq.s32 s21, $0x18;
	s30 =	sadd.s32 $0x7DA8, s23;
	s31 =	sadd.s32 $0x50, s24  }
0x10e: {  	[hbm4b:s31+s3] =	stream.linear.scatter [tilespmem:s30], [sflag:$0x4], $0x80, $0x38;
	[tilespmem:$0x9D00] =	vst v63  }
.Ltmp9:
0x10f: {  	_ = 	snop;
	(pc) =	sbr.rel @p0 .LBB2_16-.Ltmp9, $4  }
0x110: {  	s28 =	sadd.s32 $0x7E30, s23;
	s29 =	sadd.s32 $0x60, s24  }
0x111: {  	[hbm4b:s29+s3] =	stream.linear.scatter [tilespmem:s28], [sflag:$0x4], $0x80, $0x38;
	[tilespmem:$0x9D00] =	vst v63  }
0x112: {  	s30 =	sadd.s32 $0x7EB8, s23;
	s31 =	sadd.s32 $0x70, s24  }
0x113: {  	[hbm4b:s31+s3] =	stream.linear.scatter [tilespmem:s30], [sflag:$0x4], $0x80, $0x38;
	[tilespmem:$0x9D00] =	vst v63  }
.Ltmp10:
0x114: {  	(pc) =	sbr.rel .LBB2_2-.Ltmp10, $4  }
0x115: {  	_ = 	snop  }
0x116: {  	s22 =	sshrl.u32 s22, $0x2  }
0x117: {  	s21 =	sadd.s32 $0x1, s21;
	s22 =	sadd.s32 $0x180, s22  }
0x118: {  	[tilespmem:s13], [sflag:$0x2] =	stream.indirect.gather [hbm4b:s4+s9], $0x40, s22, s9, $0xb8;
	[tilespmem:$0x9D00] =	vst v63  }
.LBB2_17:
0x119: {  	_ =	sfence.sel $0x180000  }
0x11a: {  	[bflag:$0x0] =	sbarrier.arrive $0xFFFF  }
0x11b: {  	p0 =	sne.s32 s0, $0x0;
	_ =	strace $0x90000047  }
0x11c: {  	s0 =	sadd.s32 @!p0 $0x100000, s1;
	[bflag:$0x2] =	sbarrier.arrive $0xFFFF  }
0x11d: {  	[sflag:s0] =	ssyncadd.tile.s32 @!p0 $0x1;
	_ =	shalt  }
.Lfunc_end2:
_tile_overlayer_lowered:
.L_overlay_start_2:
0x11e: {  	(tag) =	ssettag $0x2  }
0x11f: {  	s0 =	rddreg [dreg:$0x0];
	s2 =	stileid.u32  }
0x120: {  	s1 =	rddreg [dreg:$0x1];
	p0 =	sne.s32 s2, $0x0  }
0x121: {  	s3 =	rddreg [dreg:$0x2];
	[bflag:$0x3] =	sbarrier.arrive $0xFFFF;
	s2 =	simm.s32 @!p0 $0x1C05  }
0x122: {  	[timem:s3], [sflag:s2] =	dma.local @!p0 [hbm:s0], s1  }
0x123: {  	s0 =	simm.s32 @!p0 $0x5  }
0x124: {  	_ =	swait.ge @!p0 [sflag:s0], s1  }
0x125: {  	s1 =	ssub.s32 @!p0 $0x0, s1;
	[sflag:s0] =	ssyncset.done @!p0 $0x0  }
0x126: {  	[sflag:s0] =	ssyncadd.s32 @!p0 s1  }
0x127: {  	[bflag:$0x3] =	sbarrier.arrive $0xFFFF  }
0x128: {  	_ =	shalt  }

</sc_bundles>
